<compile_context>
chip_gen: v7x
topology: tpu7x:2x2x1
jax: 0.10.2.dev20260603
libtpu: 0.0.44.dev20260713+nightly
codegen_flags: <defaults>
</compile_context>

<pallas_src>
import functools

import numpy as np

import jax
import jax.numpy as jnp
from jax import lax
from jax.experimental import pallas as pl
from jax.experimental.pallas import tpu as pltpu
from jax.experimental.pallas import tpu_sc as plsc

N_PROPOSALS = 20000
M_GT = 100
N_TOT = N_PROPOSALS + M_GT
NUM_CLASSES = 80
NUM_FG = 128
NUM_BG = 384
NUM_SAMPLES = NUM_FG + NUM_BG

LANES = 16
N_PAD = 20480
N_WORKERS = 32
CHUNK = N_PAD // N_WORKERS
VPC = CHUNK // LANES
M_PAD = 128

TC_ROWS = 13312
SC_ROWS = N_PAD - TC_ROWS
SC_CHUNK = SC_ROWS // N_WORKERS
SC_VPC = SC_CHUNK // LANES

_MESH = plsc.VectorSubcoreMesh(core_axis_name="c", subcore_axis_name="s")


def _sampling_perm() -> np.ndarray:
    mask = np.uint32(0xFFFFFFFF)

    def rotl(x, d):
        return ((x << np.uint32(d)) | (x >> np.uint32(32 - d))) & mask

    ks = [np.uint32(0), np.uint32(42),
          np.uint32(0) ^ np.uint32(42) ^ np.uint32(0x1BD11BDA)]
    rot = [13, 15, 26, 6, 17, 29, 16, 24]
    x0 = np.zeros(N_TOT, np.uint32) + ks[0]
    x1 = (np.arange(N_TOT, dtype=np.uint32) + ks[1]) & mask
    for i in range(5):
        for r in (rot[0:4] if i % 2 == 0 else rot[4:8]):
            x0 = (x0 + x1) & mask
            x1 = rotl(x1, r)
            x1 = x1 ^ x0
        x0 = (x0 + ks[(i + 1) % 3]) & mask
        x1 = (x1 + ks[(i + 2) % 3] + np.uint32(i + 1)) & mask
    bits = x0 ^ x1
    scores = (((bits >> np.uint32(9)) | np.uint32(0x3F800000))
              .view(np.float32) - np.float32(1.0))
    perm = np.argsort(-scores, kind="stable").astype(np.int32)
    return np.concatenate([perm, np.arange(N_TOT, N_PAD, dtype=np.int32)])


_PERM = _sampling_perm()


def _wid():
    return lax.axis_index("s") * 2 + lax.axis_index("c")


def _iou_cls_body(px0, py0, px1, py1, gx0, gy0, gx1, gy1, gcls,
                  iou_out, cls_out,
                  vx0, vy0, vx1, vy1, vg0, vg1, vg2, vg3, vgc,
                  viou, vcls):
    wid = _wid()
    base = TC_ROWS + wid * SC_CHUNK
    pltpu.sync_copy(px0.at[pl.ds(base, SC_CHUNK)], vx0)
    pltpu.sync_copy(py0.at[pl.ds(base, SC_CHUNK)], vy0)
    pltpu.sync_copy(px1.at[pl.ds(base, SC_CHUNK)], vx1)
    pltpu.sync_copy(py1.at[pl.ds(base, SC_CHUNK)], vy1)
    pltpu.sync_copy(gx0, vg0)
    pltpu.sync_copy(gy0, vg1)
    pltpu.sync_copy(gx1, vg2)
    pltpu.sync_copy(gy1, vg3)
    pltpu.sync_copy(gcls, vgc)

    def per_pair(i, _):
        sl0 = pl.ds((2 * i) * LANES, LANES)
        sl1 = pl.ds((2 * i + 1) * LANES, LANES)
        x0a = vx0[sl0]
        y0a = vy0[sl0]
        x1a = vx1[sl0]
        y1a = vy1[sl0]
        x0b = vx0[sl1]
        y0b = vy0[sl1]
        x1b = vx1[sl1]
        y1b = vy1[sl1]
        parea_a = (x1a - x0a) * (y1a - y0a)
        parea_b = (x1b - x0b) * (y1b - y0b)

        def one(a0, a1, a2, a3, garea, gc, x0, y0, x1, y1, parea,
                best, bcls):
            ltx = jnp.maximum(a0, x0)
            lty = jnp.maximum(a1, y0)
            rbx = jnp.minimum(a2, x1)
            rby = jnp.minimum(a3, y1)
            w = jnp.maximum(rbx - ltx, 0.0)
            h = jnp.maximum(rby - lty, 0.0)
            inter = w * h
            union = garea + parea - inter
            iou = jnp.where(inter > 0.0,
                            inter / jnp.maximum(union, 1e-8),
                            0.0)
            upd = iou > best
            return jnp.where(upd, iou, best), jnp.where(upd, gc, bcls)

        def per_gt(g, carry):
            best_a, bcls_a, best_b, bcls_b = carry
            gi = jnp.full((LANES,), g, dtype=jnp.int32)
            a0 = plsc.load_gather(vg0, [gi])
            a1 = plsc.load_gather(vg1, [gi])
            a2 = plsc.load_gather(vg2, [gi])
            a3 = plsc.load_gather(vg3, [gi])
            gc = plsc.load_gather(vgc, [gi])
            garea = (a2 - a0) * (a3 - a1)
            best_a, bcls_a = one(a0, a1, a2, a3, garea, gc,
                                 x0a, y0a, x1a, y1a, parea_a,
                                 best_a, bcls_a)
            best_b, bcls_b = one(a0, a1, a2, a3, garea, gc,
                                 x0b, y0b, x1b, y1b, parea_b,
                                 best_b, bcls_b)
            return best_a, bcls_a, best_b, bcls_b

        neg = jnp.full((LANES,), -1.0, dtype=jnp.float32)
        zero = jnp.zeros((LANES,), dtype=jnp.int32)
        best_a, bcls_a, best_b, bcls_b = lax.fori_loop(
            0, M_GT, per_gt, (neg, zero, neg, zero))
        bg = jnp.full((LANES,), NUM_CLASSES, dtype=jnp.int32)
        viou[sl0] = best_a
        vcls[sl0] = jnp.where(best_a >= 0.5, bcls_a, bg)
        viou[sl1] = best_b
        vcls[sl1] = jnp.where(best_b >= 0.5, bcls_b, bg)
        return 0

    lax.fori_loop(0, SC_VPC // 2, per_pair, 0)
    pltpu.sync_copy(viou, iou_out.at[pl.ds(wid * SC_CHUNK, SC_CHUNK)])
    pltpu.sync_copy(vcls, cls_out.at[pl.ds(wid * SC_CHUNK, SC_CHUNK)])


_iou_cls_kernel = functools.partial(
    pl.kernel, _iou_cls_body, mesh=_MESH,
    compiler_params=pltpu.CompilerParams(needs_layout_passes=False),
    out_type=[jax.ShapeDtypeStruct((SC_ROWS,), jnp.float32),
              jax.ShapeDtypeStruct((SC_ROWS,), jnp.int32)],
    scratch_types=[pltpu.VMEM((SC_CHUNK,), jnp.float32)] * 4
                  + [pltpu.VMEM((M_PAD,), jnp.float32)] * 4
                  + [pltpu.VMEM((M_PAD,), jnp.int32)]
                  + [pltpu.VMEM((SC_CHUNK,), jnp.float32),
                     pltpu.VMEM((SC_CHUNK,), jnp.int32)],
)


def _tc_iou_body(gx0s, gy0s, gx1s, gy1s, gcs,
                 px0b, py0b, px1b, py1b, iou_b, cls_b):
    x0 = px0b[...]
    y0 = py0b[...]
    x1 = px1b[...]
    y1 = py1b[...]
    parea = (x1 - x0) * (y1 - y0)

    def one_gt(g, best, bcls):
        a0 = gx0s[g]
        a1 = gy0s[g]
        a2 = gx1s[g]
        a3 = gy1s[g]
        gc = gcs[g]
        garea = (a2 - a0) * (a3 - a1)
        ltx = jnp.maximum(x0, a0)
        lty = jnp.maximum(y0, a1)
        rbx = jnp.minimum(x1, a2)
        rby = jnp.minimum(y1, a3)
        w = jnp.maximum(rbx - ltx, 0.0)
        h = jnp.maximum(rby - lty, 0.0)
        inter = w * h
        union = garea + parea - inter
        iou = jnp.where(inter > 0.0,
                        inter / jnp.maximum(union, 1e-8),
                        0.0)
        upd = iou > best
        return jnp.where(upd, iou, best), jnp.where(upd, gc, bcls)

    def per_gt4(q, carry):
        best, bcls = carry
        g = q * 4
        for k in range(4):
            best, bcls = one_gt(g + k, best, bcls)
        return best, bcls

    init = (jnp.full(x0.shape, -1.0, dtype=jnp.float32),
            jnp.zeros(x0.shape, dtype=jnp.int32))
    best, bcls = lax.fori_loop(0, M_GT // 4, per_gt4, init)
    iou_b[...] = best
    cls_b[...] = jnp.where(best >= 0.5, bcls, NUM_CLASSES)


def _tc_iou(px0, py0, px1, py1, gx0, gy0, gx1, gy1, gcls):
    rows = TC_ROWS // 128
    grid = rows // 8
    smem = pl.BlockSpec(memory_space=pltpu.SMEM)
    blk = pl.BlockSpec((8, 128), lambda i: (i, 0))
    iou, cls = pl.pallas_call(
        _tc_iou_body,
        grid=(grid,),
        in_specs=[smem] * 5 + [blk] * 4,
        out_specs=[blk, blk],
        out_shape=[jax.ShapeDtypeStruct((rows, 128), jnp.float32),
                   jax.ShapeDtypeStruct((rows, 128), jnp.int32)],
    )(gx0, gy0, gx1, gy1, gcls,
      px0[:TC_ROWS].reshape(rows, 128), py0[:TC_ROWS].reshape(rows, 128),
      px1[:TC_ROWS].reshape(rows, 128), py1[:TC_ROWS].reshape(rows, 128))
    return iou.reshape(TC_ROWS), cls.reshape(TC_ROWS)


def _select_body(cls_hbm, perm_hbm, px0, py0, px1, py1,
                 idx_out, scls_out, sbox_out,
                 vcls, vx0, vy0, vx1, vy1, vperm,
                 vidx, vocls, vob0, vob1, vob2, vob3, sem_c, sem_b):
    wid = _wid()

    @pl.when(wid == 0)
    def _():
        h_cls = pltpu.async_copy(cls_hbm, vcls, sem_c)
        h0 = pltpu.async_copy(px0, vx0, sem_b)
        h1 = pltpu.async_copy(py0, vy0, sem_b)
        h2 = pltpu.async_copy(px1, vx1, sem_b)
        h3 = pltpu.async_copy(py1, vy1, sem_b)
        h_cls.wait()

        zero = jnp.zeros((LANES,), jnp.int32)

        def chunk_cond(carry):
            c, nfgv, nbgv = carry
            return jnp.logical_and(
                c < N_WORKERS,
                jnp.logical_or(jnp.max(nfgv) < NUM_FG,
                               jnp.max(nbgv) < NUM_BG))

        def per_chunk(carry):
            c, nfgv, nbgv = carry
            pltpu.sync_copy(perm_hbm.at[pl.ds(c * CHUNK, CHUNK)], vperm)

            def per_vreg(j, carry2):
                nfgv, nbgv = carry2
                pv = vperm[pl.ds(j * LANES, LANES)]
                cv = plsc.load_gather(vcls, [pv])
                valid = pv < N_TOT
                fgm = jnp.logical_and(cv < NUM_CLASSES, valid)
                bgm = jnp.logical_and(cv == NUM_CLASSES, valid)
                cumf = nfgv + jnp.cumsum(fgm.astype(jnp.int32))
                cumb = nbgv + jnp.cumsum(bgm.astype(jnp.int32))
                self_f = jnp.logical_and(fgm, cumf <= NUM_FG)
                self_b = jnp.logical_and(bgm, cumb <= NUM_BG)
                plsc.store_scatter(vidx, [cumf - 1], pv, mask=self_f)
                plsc.store_scatter(vidx, [NUM_FG + cumb - 1], pv,
                                   mask=self_b)
                nfgv = nfgv + plsc.all_reduce_population_count(fgm)
                nbgv = nbgv + plsc.all_reduce_population_count(bgm)
                return nfgv, nbgv

            nfgv, nbgv = lax.fori_loop(0, VPC, per_vreg, (nfgv, nbgv))
            return c + 1, nfgv, nbgv

        _, nfgv, nbgv = lax.while_loop(
            chunk_cond, per_chunk, (jnp.int32(0), zero, zero))
        nfg = jnp.max(nfgv)
        nbg = jnp.max(nbgv)

        @pl.when(nfg < NUM_FG)
        def _():
            def fill_f(j, n):
                sl = pl.ds(j * LANES, LANES)
                cv = vcls[sl]
                iv = j * LANES + lax.iota(jnp.int32, LANES)
                m = jnp.logical_and(cv == NUM_CLASSES, iv < N_TOT)
                cum = n + jnp.cumsum(m.astype(jnp.int32))
                sel = jnp.logical_and(m, cum <= NUM_FG)
                plsc.store_scatter(vidx, [cum - 1], iv, mask=sel)
                return jnp.max(cum)

            lax.fori_loop(0, N_PAD // LANES, fill_f, nfg)

        @pl.when(nbg < NUM_BG)
        def _():
            def fill_b(j, n):
                sl = pl.ds(j * LANES, LANES)
                cv = vcls[sl]
                iv = j * LANES + lax.iota(jnp.int32, LANES)
                m = jnp.logical_and(cv < NUM_CLASSES, iv < N_TOT)
                cum = n + jnp.cumsum(m.astype(jnp.int32))
                sel = jnp.logical_and(m, cum <= NUM_BG)
                plsc.store_scatter(vidx, [NUM_FG + cum - 1], iv, mask=sel)
                return jnp.max(cum)

            lax.fori_loop(0, N_PAD // LANES, fill_b, nbg)

        h0.wait()
        h1.wait()
        h2.wait()
        h3.wait()

        def gather_out(k, _):
            sl = pl.ds(k * LANES, LANES)
            iv = vidx[sl]
            vocls[sl] = plsc.load_gather(vcls, [iv])
            vob0[sl] = plsc.load_gather(vx0, [iv])
            vob1[sl] = plsc.load_gather(vy0, [iv])
            vob2[sl] = plsc.load_gather(vx1, [iv])
            vob3[sl] = plsc.load_gather(vy1, [iv])
            return 0

        lax.fori_loop(0, NUM_SAMPLES // LANES, gather_out, 0)
        pltpu.sync_copy(vidx, idx_out)
        pltpu.sync_copy(vocls, scls_out)
        pltpu.sync_copy(vob0, sbox_out.at[0])
        pltpu.sync_copy(vob1, sbox_out.at[1])
        pltpu.sync_copy(vob2, sbox_out.at[2])
        pltpu.sync_copy(vob3, sbox_out.at[3])


_select_kernel = functools.partial(
    pl.kernel, _select_body, mesh=_MESH,
    compiler_params=pltpu.CompilerParams(needs_layout_passes=False),
    out_type=[jax.ShapeDtypeStruct((NUM_SAMPLES,), jnp.int32),
              jax.ShapeDtypeStruct((NUM_SAMPLES,), jnp.int32),
              jax.ShapeDtypeStruct((4, NUM_SAMPLES), jnp.float32)],
    scratch_types=[pltpu.VMEM((N_PAD,), jnp.int32)]
                  + [pltpu.VMEM((N_PAD,), jnp.float32)] * 4
                  + [pltpu.VMEM((CHUNK,), jnp.int32)]
                  + [pltpu.VMEM((NUM_SAMPLES,), jnp.int32)] * 2
                  + [pltpu.VMEM((NUM_SAMPLES,), jnp.float32)] * 4
                  + [pltpu.SemaphoreType.DMA] * 2,
)


def kernel(proposal_boxes, gt_boxes, gt_classes):
    props = jnp.concatenate(
        [proposal_boxes.astype(jnp.float32), gt_boxes.astype(jnp.float32)],
        axis=0)
    props_pad = jnp.pad(props, ((0, N_PAD - N_TOT), (0, 0)))
    px0, py0, px1, py1 = [props_pad[:, i] for i in range(4)]
    gpad = jnp.pad(gt_boxes.astype(jnp.float32), ((0, M_PAD - M_GT), (0, 0)))
    gx0, gy0, gx1, gy1 = [gpad[:, i] for i in range(4)]
    gcls = jnp.pad(gt_classes.astype(jnp.int32), (0, M_PAD - M_GT),
                   constant_values=NUM_CLASSES)

    perm = jnp.asarray(_PERM)

    iou_sc, cls_sc = _iou_cls_kernel()(
        px0, py0, px1, py1, gx0, gy0, gx1, gy1, gcls)
    iou_tc, cls_tc = _tc_iou(px0, py0, px1, py1, gx0, gy0, gx1, gy1, gcls)
    iou_pad = jnp.concatenate([iou_tc, iou_sc])
    cls_pad = jnp.concatenate([cls_tc, cls_sc])
    sampled_idxs, sampled_classes, sbox = _select_kernel()(
        cls_pad, perm, px0, py0, px1, py1)

    sampled_boxes = sbox.T
    iou_with_gt = iou_pad[:N_TOT]
    return sampled_idxs, sampled_classes, sampled_boxes, iou_with_gt

# --- scband reference (transcript-rebuilt; emitter-appended) ---
"""Pipeline reference for scband-roiheads-oln-4432406250000 (READ-ONLY COPY).

The authoritative reference and input builder live on the scoring server;
editing this copy changes nothing except your own understanding.
"""

import jax, jax.numpy as jnp
import numpy as np

NUM_CLASSES = 80
BATCH_SIZE_PER_IMAGE = 512
POSITIVE_FRACTION = 0.25
IOU_THRESHOLD = 0.5
N_PROPOSALS = 20000
M_GT = 100


def _make_boxes(key, n, img_size=800.0, max_wh=200.0):
    k1, k2 = jax.random.split(key)
    xy = jax.random.uniform(k1, (n, 2), minval=0.0, maxval=img_size - max_wh)
    wh = jax.random.uniform(k2, (n, 2), minval=8.0, maxval=max_wh)
    return jnp.concatenate([xy, xy + wh], axis=1).astype(jnp.float32)


def setup_inputs(seed: int = 0) -> dict:
    key = jax.random.key(seed)
    kp, kg, kc = jax.random.split(key, 3)
    proposal_boxes = _make_boxes(kp, N_PROPOSALS)
    gt_boxes = _make_boxes(kg, M_GT)
    gt_classes = jax.random.randint(kc, (M_GT,), 0, NUM_CLASSES).astype(jnp.int64)
    return {"proposal_boxes": proposal_boxes, "gt_boxes": gt_boxes, "gt_classes": gt_classes}


def pairwise_iou(boxes1, boxes2):
    # boxes1: [M,4], boxes2: [N,4] -> IoU matrix [M,N]
    area1 = (boxes1[:, 2] - boxes1[:, 0]) * (boxes1[:, 3] - boxes1[:, 1])
    area2 = (boxes2[:, 2] - boxes2[:, 0]) * (boxes2[:, 3] - boxes2[:, 1])
    lt = jnp.maximum(boxes1[:, None, :2], boxes2[None, :, :2])
    rb = jnp.minimum(boxes1[:, None, 2:], boxes2[None, :, 2:])
    wh = jnp.clip(rb - lt, 0.0)
    inter = wh[..., 0] * wh[..., 1]
    union = area1[:, None] + area2[None, :] - inter
    return jnp.where(inter > 0, inter / jnp.maximum(union, 1e-8), 0.0)


def reference(proposal_boxes, gt_boxes, gt_classes):
    # add_ground_truth_to_proposals (proposal_append_gt=True)
    proposals = jnp.concatenate([proposal_boxes, gt_boxes], axis=0)  # [N+M, 4]
    n_tot = proposals.shape[0]

    # match_quality_matrix: [M, N+M]
    mqm = pairwise_iou(gt_boxes, proposals)
    iou_with_gt = mqm.max(axis=0)                       # per-proposal max IoU (stored as iou_with_gt)
    matched_idxs = jnp.argmax(mqm, axis=0)              # best-matched gt per proposal
    # Matcher(thresholds=[0.5], labels=[0,1], allow_low_quality_matches=False)
    matched_labels = (iou_with_gt >= IOU_THRESHOLD).astype(jnp.int32)

    # _sample_proposals: assign per-proposal classes
    gt_per_prop = jnp.take(gt_classes, matched_idxs)
    gt_per_prop = jnp.where(matched_labels == 0, NUM_CLASSES, gt_per_prop)

    # subsample_labels: random sampling of fg/bg via random-score top-k (jax equivalent
    # of torch.randperm-based subsampling; fixed sizes for static shapes)
    key = jax.random.key(42)
    scores = jax.random.uniform(key, (n_tot,))
    fg_mask = (gt_per_prop >= 0) & (gt_per_prop < NUM_CLASSES)
    bg_mask = gt_per_prop == NUM_CLASSES
    num_fg = int(BATCH_SIZE_PER_IMAGE * POSITIVE_FRACTION)
    num_bg = BATCH_SIZE_PER_IMAGE - num_fg
    fg_scores = jnp.where(fg_mask, scores, -jnp.inf)
    bg_scores = jnp.where(bg_mask, scores, -jnp.inf)
    _, fg_idx = jax.lax.top_k(fg_scores, num_fg)
    _, bg_idx = jax.lax.top_k(bg_scores, num_bg)
    sampled_idxs = jnp.concatenate([fg_idx, bg_idx], axis=0)  # [512]

    sampled_classes = jnp.take(gt_per_prop, sampled_idxs)
    sampled_boxes = jnp.take(proposals, sampled_idxs, axis=0)
    return sampled_idxs, sampled_classes, sampled_boxes, iou_with_gt

if __name__ == "__main__":
    import jax
    _d = setup_inputs()
    print(jax.jit(kernel)(*tuple(_d.values())))

</pallas_src>

<mosaic_0001>
#map = affine_map<(d0, d1) -> (0)>
module attributes {stable_mosaic.version = 14 : i64} {
  func.func @_iou_cls_body(%arg0: i32, %arg1: i32, %arg2: memref<20480xf32, #tpu.memory_space<hbm>>, %arg3: memref<20480xf32, #tpu.memory_space<hbm>>, %arg4: memref<20480xf32, #tpu.memory_space<hbm>>, %arg5: memref<20480xf32, #tpu.memory_space<hbm>>, %arg6: memref<128xf32, #tpu.memory_space<hbm>>, %arg7: memref<128xf32, #tpu.memory_space<hbm>>, %arg8: memref<128xf32, #tpu.memory_space<hbm>>, %arg9: memref<128xf32, #tpu.memory_space<hbm>>, %arg10: memref<128xi32, #tpu.memory_space<hbm>>, %arg11: memref<7168xf32, #tpu.memory_space<hbm>>, %arg12: memref<7168xi32, #tpu.memory_space<hbm>>, %arg13: memref<224xf32, #tpu.memory_space<vmem>>, %arg14: memref<224xf32, #tpu.memory_space<vmem>>, %arg15: memref<224xf32, #tpu.memory_space<vmem>>, %arg16: memref<224xf32, #tpu.memory_space<vmem>>, %arg17: memref<128xf32, #tpu.memory_space<vmem>>, %arg18: memref<128xf32, #tpu.memory_space<vmem>>, %arg19: memref<128xf32, #tpu.memory_space<vmem>>, %arg20: memref<128xf32, #tpu.memory_space<vmem>>, %arg21: memref<128xi32, #tpu.memory_space<vmem>>, %arg22: memref<224xf32, #tpu.memory_space<vmem>>, %arg23: memref<224xi32, #tpu.memory_space<vmem>>) attributes {dimension_semantics = [#tpu.dimension_semantics<core_parallel>, #tpu.dimension_semantics<subcore_parallel>], iteration_bounds = array<i64: 2, 16>, scalar_prefetch = 0 : i64, scratch_operands = 11 : i64, tpu.core_type = #tpu.core_type<sc_vector_subcore>, window_params = [{transform_indices = #map}, {transform_indices = #map}, {transform_indices = #map}, {transform_indices = #map}, {transform_indices = #map}, {transform_indices = #map}, {transform_indices = #map}, {transform_indices = #map}, {transform_indices = #map}, {transform_indices = #map}, {transform_indices = #map}]} {
    %mul3A = arith.constant 2 : i32
    %mul3A_0 = arith.muli %arg1, %mul3A : i32
    %add3A = arith.addi %mul3A_0, %arg0 : i32
    %mul3A_1 = arith.constant 224 : i32
    %mul3A_2 = arith.muli %add3A, %mul3A_1 : i32
    %add3A_3 = arith.constant 13312 : i32
    %add3A_4 = arith.addi %add3A_3, %mul3A_2 : i32
    "tpu.region"() ({
      %run_scoped3A = tpu.sem_alloc : memref<!tpu.dma_semaphore, #tpu.memory_space<semaphore_mem>>
      %dma_start3A = tpu.memref_slice %arg2[%add3A_4] : memref<20480xf32, #tpu.memory_space<hbm>> -> memref<224xf32, #tpu.memory_space<hbm>>
      %dma_start3A_15 = tpu.memref_slice %arg2[%add3A_4] : memref<20480xf32, #tpu.memory_space<hbm>> -> memref<224xf32, #tpu.memory_space<hbm>>
      tpu.enqueue_dma source(%dma_start3A_15 : memref<224xf32, #tpu.memory_space<hbm>>) target(%arg13 : memref<224xf32, #tpu.memory_space<vmem>>) target_semaphore(%run_scoped3A : memref<!tpu.dma_semaphore, #tpu.memory_space<semaphore_mem>>)
      %dma_wait3A = tpu.memref_slice %arg2[%add3A_4] : memref<20480xf32, #tpu.memory_space<hbm>> -> memref<224xf32, #tpu.memory_space<hbm>>
      %dma_wait3A_16 = tpu.memref_slice %arg2[%add3A_4] : memref<20480xf32, #tpu.memory_space<hbm>> -> memref<224xf32, #tpu.memory_space<hbm>>
      tpu.wait_dma2 semaphore(%run_scoped3A : memref<!tpu.dma_semaphore, #tpu.memory_space<semaphore_mem>>) src(%dma_wait3A_16 : memref<224xf32, #tpu.memory_space<hbm>>) dst(%arg13 : memref<224xf32, #tpu.memory_space<vmem>>)
      tpu.yield
    }) : () -> ()
    "tpu.region"() ({
      %run_scoped3A = tpu.sem_alloc : memref<!tpu.dma_semaphore, #tpu.memory_space<semaphore_mem>>
      %dma_start3A = tpu.memref_slice %arg3[%add3A_4] : memref<20480xf32, #tpu.memory_space<hbm>> -> memref<224xf32, #tpu.memory_space<hbm>>
      %dma_start3A_15 = tpu.memref_slice %arg3[%add3A_4] : memref<20480xf32, #tpu.memory_space<hbm>> -> memref<224xf32, #tpu.memory_space<hbm>>
      tpu.enqueue_dma source(%dma_start3A_15 : memref<224xf32, #tpu.memory_space<hbm>>) target(%arg14 : memref<224xf32, #tpu.memory_space<vmem>>) target_semaphore(%run_scoped3A : memref<!tpu.dma_semaphore, #tpu.memory_space<semaphore_mem>>)
      %dma_wait3A = tpu.memref_slice %arg3[%add3A_4] : memref<20480xf32, #tpu.memory_space<hbm>> -> memref<224xf32, #tpu.memory_space<hbm>>
      %dma_wait3A_16 = tpu.memref_slice %arg3[%add3A_4] : memref<20480xf32, #tpu.memory_space<hbm>> -> memref<224xf32, #tpu.memory_space<hbm>>
      tpu.wait_dma2 semaphore(%run_scoped3A : memref<!tpu.dma_semaphore, #tpu.memory_space<semaphore_mem>>) src(%dma_wait3A_16 : memref<224xf32, #tpu.memory_space<hbm>>) dst(%arg14 : memref<224xf32, #tpu.memory_space<vmem>>)
      tpu.yield
    }) : () -> ()
    "tpu.region"() ({
      %run_scoped3A = tpu.sem_alloc : memref<!tpu.dma_semaphore, #tpu.memory_space<semaphore_mem>>
      %dma_start3A = tpu.memref_slice %arg4[%add3A_4] : memref<20480xf32, #tpu.memory_space<hbm>> -> memref<224xf32, #tpu.memory_space<hbm>>
      %dma_start3A_15 = tpu.memref_slice %arg4[%add3A_4] : memref<20480xf32, #tpu.memory_space<hbm>> -> memref<224xf32, #tpu.memory_space<hbm>>
      tpu.enqueue_dma source(%dma_start3A_15 : memref<224xf32, #tpu.memory_space<hbm>>) target(%arg15 : memref<224xf32, #tpu.memory_space<vmem>>) target_semaphore(%run_scoped3A : memref<!tpu.dma_semaphore, #tpu.memory_space<semaphore_mem>>)
      %dma_wait3A = tpu.memref_slice %arg4[%add3A_4] : memref<20480xf32, #tpu.memory_space<hbm>> -> memref<224xf32, #tpu.memory_space<hbm>>
      %dma_wait3A_16 = tpu.memref_slice %arg4[%add3A_4] : memref<20480xf32, #tpu.memory_space<hbm>> -> memref<224xf32, #tpu.memory_space<hbm>>
      tpu.wait_dma2 semaphore(%run_scoped3A : memref<!tpu.dma_semaphore, #tpu.memory_space<semaphore_mem>>) src(%dma_wait3A_16 : memref<224xf32, #tpu.memory_space<hbm>>) dst(%arg15 : memref<224xf32, #tpu.memory_space<vmem>>)
      tpu.yield
    }) : () -> ()
    "tpu.region"() ({
      %run_scoped3A = tpu.sem_alloc : memref<!tpu.dma_semaphore, #tpu.memory_space<semaphore_mem>>
      %dma_start3A = tpu.memref_slice %arg5[%add3A_4] : memref<20480xf32, #tpu.memory_space<hbm>> -> memref<224xf32, #tpu.memory_space<hbm>>
      %dma_start3A_15 = tpu.memref_slice %arg5[%add3A_4] : memref<20480xf32, #tpu.memory_space<hbm>> -> memref<224xf32, #tpu.memory_space<hbm>>
      tpu.enqueue_dma source(%dma_start3A_15 : memref<224xf32, #tpu.memory_space<hbm>>) target(%arg16 : memref<224xf32, #tpu.memory_space<vmem>>) target_semaphore(%run_scoped3A : memref<!tpu.dma_semaphore, #tpu.memory_space<semaphore_mem>>)
      %dma_wait3A = tpu.memref_slice %arg5[%add3A_4] : memref<20480xf32, #tpu.memory_space<hbm>> -> memref<224xf32, #tpu.memory_space<hbm>>
      %dma_wait3A_16 = tpu.memref_slice %arg5[%add3A_4] : memref<20480xf32, #tpu.memory_space<hbm>> -> memref<224xf32, #tpu.memory_space<hbm>>
      tpu.wait_dma2 semaphore(%run_scoped3A : memref<!tpu.dma_semaphore, #tpu.memory_space<semaphore_mem>>) src(%dma_wait3A_16 : memref<224xf32, #tpu.memory_space<hbm>>) dst(%arg16 : memref<224xf32, #tpu.memory_space<vmem>>)
      tpu.yield
    }) : () -> ()
    "tpu.region"() ({
      %run_scoped3A = tpu.sem_alloc : memref<!tpu.dma_semaphore, #tpu.memory_space<semaphore_mem>>
      tpu.enqueue_dma source(%arg6 : memref<128xf32, #tpu.memory_space<hbm>>) target(%arg17 : memref<128xf32, #tpu.memory_space<vmem>>) target_semaphore(%run_scoped3A : memref<!tpu.dma_semaphore, #tpu.memory_space<semaphore_mem>>)
      tpu.wait_dma2 semaphore(%run_scoped3A : memref<!tpu.dma_semaphore, #tpu.memory_space<semaphore_mem>>) src(%arg6 : memref<128xf32, #tpu.memory_space<hbm>>) dst(%arg17 : memref<128xf32, #tpu.memory_space<vmem>>)
      tpu.yield
    }) : () -> ()
    "tpu.region"() ({
      %run_scoped3A = tpu.sem_alloc : memref<!tpu.dma_semaphore, #tpu.memory_space<semaphore_mem>>
      tpu.enqueue_dma source(%arg7 : memref<128xf32, #tpu.memory_space<hbm>>) target(%arg18 : memref<128xf32, #tpu.memory_space<vmem>>) target_semaphore(%run_scoped3A : memref<!tpu.dma_semaphore, #tpu.memory_space<semaphore_mem>>)
      tpu.wait_dma2 semaphore(%run_scoped3A : memref<!tpu.dma_semaphore, #tpu.memory_space<semaphore_mem>>) src(%arg7 : memref<128xf32, #tpu.memory_space<hbm>>) dst(%arg18 : memref<128xf32, #tpu.memory_space<vmem>>)
      tpu.yield
    }) : () -> ()
    "tpu.region"() ({
      %run_scoped3A = tpu.sem_alloc : memref<!tpu.dma_semaphore, #tpu.memory_space<semaphore_mem>>
      tpu.enqueue_dma source(%arg8 : memref<128xf32, #tpu.memory_space<hbm>>) target(%arg19 : memref<128xf32, #tpu.memory_space<vmem>>) target_semaphore(%run_scoped3A : memref<!tpu.dma_semaphore, #tpu.memory_space<semaphore_mem>>)
      tpu.wait_dma2 semaphore(%run_scoped3A : memref<!tpu.dma_semaphore, #tpu.memory_space<semaphore_mem>>) src(%arg8 : memref<128xf32, #tpu.memory_space<hbm>>) dst(%arg19 : memref<128xf32, #tpu.memory_space<vmem>>)
      tpu.yield
    }) : () -> ()
    "tpu.region"() ({
      %run_scoped3A = tpu.sem_alloc : memref<!tpu.dma_semaphore, #tpu.memory_space<semaphore_mem>>
      tpu.enqueue_dma source(%arg9 : memref<128xf32, #tpu.memory_space<hbm>>) target(%arg20 : memref<128xf32, #tpu.memory_space<vmem>>) target_semaphore(%run_scoped3A : memref<!tpu.dma_semaphore, #tpu.memory_space<semaphore_mem>>)
      tpu.wait_dma2 semaphore(%run_scoped3A : memref<!tpu.dma_semaphore, #tpu.memory_space<semaphore_mem>>) src(%arg9 : memref<128xf32, #tpu.memory_space<hbm>>) dst(%arg20 : memref<128xf32, #tpu.memory_space<vmem>>)
      tpu.yield
    }) : () -> ()
    "tpu.region"() ({
      %run_scoped3A = tpu.sem_alloc : memref<!tpu.dma_semaphore, #tpu.memory_space<semaphore_mem>>
      tpu.enqueue_dma source(%arg10 : memref<128xi32, #tpu.memory_space<hbm>>) target(%arg21 : memref<128xi32, #tpu.memory_space<vmem>>) target_semaphore(%run_scoped3A : memref<!tpu.dma_semaphore, #tpu.memory_space<semaphore_mem>>)
      tpu.wait_dma2 semaphore(%run_scoped3A : memref<!tpu.dma_semaphore, #tpu.memory_space<semaphore_mem>>) src(%arg10 : memref<128xi32, #tpu.memory_space<hbm>>) dst(%arg21 : memref<128xi32, #tpu.memory_space<vmem>>)
      tpu.yield
    }) : () -> ()
    %scan3A = arith.constant 0 : i32
    %scan3A_5 = arith.constant 0 : i32
    %scan3A_6 = arith.constant 7 : i32
    %scan3A_7 = arith.addi %scan3A_5, %scan3A_6 : i32
    %scan3A_8 = arith.constant 1 : i32
    %scan3A_9 = scf.for %scan3A_15 = %scan3A_5 to %scan3A_7 step %scan3A_8 iter_args(%scan3A_16 = %scan3A) -> (i32)  : i32 {
      %mul3A_17 = arith.constant 2 : i32
      %mul3A_18 = arith.muli %mul3A_17, %scan3A_15 : i32
      %mul3A_19 = arith.constant 16 : i32
      %mul3A_20 = arith.muli %mul3A_18, %mul3A_19 : i32
      %mul3A_21 = arith.constant 2 : i32
      %mul3A_22 = arith.muli %mul3A_21, %scan3A_15 : i32
      %add3A_23 = arith.constant 1 : i32
      %add3A_24 = arith.addi %mul3A_22, %add3A_23 : i32
      %mul3A_25 = arith.constant 16 : i32
      %mul3A_26 = arith.muli %add3A_24, %mul3A_25 : i32
      %get3A = arith.index_cast %mul3A_20 : i32 to index
      %get3A_27 = tpu.vector_load %arg13[%get3A] {strides = array<i32>} : memref<224xf32, #tpu.memory_space<vmem>>, vector<16xf32>,
      %get3A_28 = arith.index_cast %mul3A_20 : i32 to index
      %get3A_29 = tpu.vector_load %arg14[%get3A_28] {strides = array<i32>} : memref<224xf32, #tpu.memory_space<vmem>>, vector<16xf32>,
      %get3A_30 = arith.index_cast %mul3A_20 : i32 to index
      %get3A_31 = tpu.vector_load %arg15[%get3A_30] {strides = array<i32>} : memref<224xf32, #tpu.memory_space<vmem>>, vector<16xf32>,
      %get3A_32 = arith.index_cast %mul3A_20 : i32 to index
      %get3A_33 = tpu.vector_load %arg16[%get3A_32] {strides = array<i32>} : memref<224xf32, #tpu.memory_space<vmem>>, vector<16xf32>,
      %get3A_34 = arith.index_cast %mul3A_26 : i32 to index
      %get3A_35 = tpu.vector_load %arg13[%get3A_34] {strides = array<i32>} : memref<224xf32, #tpu.memory_space<vmem>>, vector<16xf32>,
      %get3A_36 = arith.index_cast %mul3A_26 : i32 to index
      %get3A_37 = tpu.vector_load %arg14[%get3A_36] {strides = array<i32>} : memref<224xf32, #tpu.memory_space<vmem>>, vector<16xf32>,
      %get3A_38 = arith.index_cast %mul3A_26 : i32 to index
      %get3A_39 = tpu.vector_load %arg15[%get3A_38] {strides = array<i32>} : memref<224xf32, #tpu.memory_space<vmem>>, vector<16xf32>,
      %get3A_40 = arith.index_cast %mul3A_26 : i32 to index
      %get3A_41 = tpu.vector_load %arg16[%get3A_40] {strides = array<i32>} : memref<224xf32, #tpu.memory_space<vmem>>, vector<16xf32>,
      %sub3A = arith.subf %get3A_31, %get3A_27 : vector<16xf32>
      %sub3A_42 = arith.subf %get3A_33, %get3A_29 : vector<16xf32>
      %mul3A_43 = arith.mulf %sub3A, %sub3A_42 : vector<16xf32>
      %sub3A_44 = arith.subf %get3A_39, %get3A_35 : vector<16xf32>
      %sub3A_45 = arith.subf %get3A_41, %get3A_37 : vector<16xf32>
      %mul3A_46 = arith.mulf %sub3A_44, %sub3A_45 : vector<16xf32>
      %broadcast_in_dim3A = arith.constant -1.000000e+00 : f32
      %broadcast_in_dim3A_47 = vector.broadcast %broadcast_in_dim3A : f32 to vector<16xf32>
      %broadcast_in_dim3A_48 = arith.constant 0 : i32
      %broadcast_in_dim3A_49 = vector.broadcast %broadcast_in_dim3A_48 : i32 to vector<16xi32>
      %scan3A_50 = arith.constant 0 : i32
      %scan3A_51 = arith.constant 100 : i32
      %scan3A_52 = arith.addi %scan3A_50, %scan3A_51 : i32
      %scan3A_53 = arith.constant 1 : i32
      %scan3A_54:4 = scf.for %scan3A_72 = %scan3A_50 to %scan3A_52 step %scan3A_53 iter_args(%scan3A_73 = %broadcast_in_dim3A_47, %scan3A_74 = %broadcast_in_dim3A_49, %scan3A_75 = %broadcast_in_dim3A_47, %scan3A_76 = %broadcast_in_dim3A_49) -> (vector<16xf32>, vector<16xi32>, vector<16xf32>, vector<16xi32>)  : i32 {
        %broadcast_in_dim3A_77 = vector.broadcast %scan3A_72 : i32 to vector<16xi32>
        %gather3A = tpu.vector_load_idx %arg17[%broadcast_in_dim3A_77] : memref<128xf32, #tpu.memory_space<vmem>>[vector<16xi32>], vector<16xf32>,
        %gather3A_78 = tpu.vector_load_idx %arg18[%broadcast_in_dim3A_77] : memref<128xf32, #tpu.memory_space<vmem>>[vector<16xi32>], vector<16xf32>,
        %gather3A_79 = tpu.vector_load_idx %arg19[%broadcast_in_dim3A_77] : memref<128xf32, #tpu.memory_space<vmem>>[vector<16xi32>], vector<16xf32>,
        %gather3A_80 = tpu.vector_load_idx %arg20[%broadcast_in_dim3A_77] : memref<128xf32, #tpu.memory_space<vmem>>[vector<16xi32>], vector<16xf32>,
        %gather3A_81 = tpu.vector_load_idx %arg21[%broadcast_in_dim3A_77] : memref<128xi32, #tpu.memory_space<vmem>>[vector<16xi32>], vector<16xi32>,
        %sub3A_82 = arith.subf %gather3A_79, %gather3A : vector<16xf32>
        %sub3A_83 = arith.subf %gather3A_80, %gather3A_78 : vector<16xf32>
        %mul3A_84 = arith.mulf %sub3A_82, %sub3A_83 : vector<16xf32>
        %max3A = arith.maximumf %gather3A, %get3A_27 : vector<16xf32>
        %max3A_85 = arith.maximumf %gather3A_78, %get3A_29 : vector<16xf32>
        %min3A = arith.minimumf %gather3A_79, %get3A_31 : vector<16xf32>
        %min3A_86 = arith.minimumf %gather3A_80, %get3A_33 : vector<16xf32>
        %sub3A_87 = arith.subf %min3A, %max3A : vector<16xf32>
        %max3A_88 = arith.constant 0.000000e+00 : f32
        %max3A_89 = vector.broadcast %max3A_88 : f32 to vector<16xf32>
        %max3A_90 = arith.maximumf %sub3A_87, %max3A_89 : vector<16xf32>
        %sub3A_91 = arith.subf %min3A_86, %max3A_85 : vector<16xf32>
        %max3A_92 = arith.constant 0.000000e+00 : f32
        %max3A_93 = vector.broadcast %max3A_92 : f32 to vector<16xf32>
        %max3A_94 = arith.maximumf %sub3A_91, %max3A_93 : vector<16xf32>
        %mul3A_95 = arith.mulf %max3A_90, %max3A_94 : vector<16xf32>
        %add3A_96 = arith.addf %mul3A_84, %mul3A_43 : vector<16xf32>
        %sub3A_97 = arith.subf %add3A_96, %mul3A_95 : vector<16xf32>
        %gt3A = arith.constant 0.000000e+00 : f32
        %gt3A_98 = vector.broadcast %gt3A : f32 to vector<16xf32>
        %gt3A_99 = arith.cmpf ogt, %mul3A_95, %gt3A_98 : vector<16xf32>
        %max3A_100 = arith.constant 9.99999993E-9 : f32
        %max3A_101 = vector.broadcast %max3A_100 : f32 to vector<16xf32>
        %max3A_102 = arith.maximumf %sub3A_97, %max3A_101 : vector<16xf32>
        %div3A = arith.divf %mul3A_95, %max3A_102 : vector<16xf32>
        %jit3A = arith.constant 0.000000e+00 : f32
        %broadcast_in_dim3A_103 = vector.broadcast %jit3A : f32 to vector<16xf32>
        %select_n3A_104 = arith.select %gt3A_99, %div3A, %broadcast_in_dim3A_103 : vector<16xi1>, vector<16xf32>
        %gt3A_105 = arith.cmpf ogt, %select_n3A_104, %scan3A_73 : vector<16xf32>
        %select_n3A_106 = arith.select %gt3A_105, %select_n3A_104, %scan3A_73 : vector<16xi1>, vector<16xf32>
        %select_n3A_107 = arith.select %gt3A_105, %gather3A_81, %scan3A_74 : vector<16xi1>, vector<16xi32>
        %max3A_108 = arith.maximumf %gather3A, %get3A_35 : vector<16xf32>
        %max3A_109 = arith.maximumf %gather3A_78, %get3A_37 : vector<16xf32>
        %min3A_110 = arith.minimumf %gather3A_79, %get3A_39 : vector<16xf32>
        %min3A_111 = arith.minimumf %gather3A_80, %get3A_41 : vector<16xf32>
        %sub3A_112 = arith.subf %min3A_110, %max3A_108 : vector<16xf32>
        %max3A_113 = arith.constant 0.000000e+00 : f32
        %max3A_114 = vector.broadcast %max3A_113 : f32 to vector<16xf32>
        %max3A_115 = arith.maximumf %sub3A_112, %max3A_114 : vector<16xf32>
        %sub3A_116 = arith.subf %min3A_111, %max3A_109 : vector<16xf32>
        %max3A_117 = arith.constant 0.000000e+00 : f32
        %max3A_118 = vector.broadcast %max3A_117 : f32 to vector<16xf32>
        %max3A_119 = arith.maximumf %sub3A_116, %max3A_118 : vector<16xf32>
        %mul3A_120 = arith.mulf %max3A_115, %max3A_119 : vector<16xf32>
        %add3A_121 = arith.addf %mul3A_84, %mul3A_46 : vector<16xf32>
        %sub3A_122 = arith.subf %add3A_121, %mul3A_120 : vector<16xf32>
        %gt3A_123 = arith.constant 0.000000e+00 : f32
        %gt3A_124 = vector.broadcast %gt3A_123 : f32 to vector<16xf32>
        %gt3A_125 = arith.cmpf ogt, %mul3A_120, %gt3A_124 : vector<16xf32>
        %max3A_126 = arith.constant 9.99999993E-9 : f32
        %max3A_127 = vector.broadcast %max3A_126 : f32 to vector<16xf32>
        %max3A_128 = arith.maximumf %sub3A_122, %max3A_127 : vector<16xf32>
        %div3A_129 = arith.divf %mul3A_120, %max3A_128 : vector<16xf32>
        %jit3A_130 = arith.constant 0.000000e+00 : f32
        %broadcast_in_dim3A_131 = vector.broadcast %jit3A_130 : f32 to vector<16xf32>
        %select_n3A_132 = arith.select %gt3A_125, %div3A_129, %broadcast_in_dim3A_131 : vector<16xi1>, vector<16xf32>
        %gt3A_133 = arith.cmpf ogt, %select_n3A_132, %scan3A_75 : vector<16xf32>
        %select_n3A_134 = arith.select %gt3A_133, %select_n3A_132, %scan3A_75 : vector<16xi1>, vector<16xf32>
        %select_n3A_135 = arith.select %gt3A_133, %gather3A_81, %scan3A_76 : vector<16xi1>, vector<16xi32>
        scf.yield %select_n3A_106, %select_n3A_107, %select_n3A_134, %select_n3A_135 : vector<16xf32>, vector<16xi32>, vector<16xf32>, vector<16xi32>
      }
      %scan3A_55 = arith.constant 100 : i32
      %broadcast_in_dim3A_56 = arith.constant 80 : i32
      %broadcast_in_dim3A_57 = vector.broadcast %broadcast_in_dim3A_56 : i32 to vector<16xi32>
      %swap3A = arith.index_cast %mul3A_20 : i32 to index
      %swap3A_58 = tpu.vector_load %arg22[%swap3A] {strides = array<i32>} : memref<224xf32, #tpu.memory_space<vmem>>, vector<16xf32>,
      tpu.vector_store %arg22[%swap3A], %scan3A_54#0 {strides = array<i32>} : memref<224xf32, #tpu.memory_space<vmem>>, vector<16xf32>,
      %ge3A = arith.constant 5.000000e-01 : f32
      %ge3A_59 = vector.broadcast %ge3A : f32 to vector<16xf32>
      %ge3A_60 = arith.cmpf oge, %scan3A_54#0, %ge3A_59 : vector<16xf32>
      %select_n3A = arith.select %ge3A_60, %scan3A_54#1, %broadcast_in_dim3A_57 : vector<16xi1>, vector<16xi32>
      %swap3A_61 = arith.index_cast %mul3A_20 : i32 to index
      %swap3A_62 = tpu.vector_load %arg23[%swap3A_61] {strides = array<i32>} : memref<224xi32, #tpu.memory_space<vmem>>, vector<16xi32>,
      tpu.vector_store %arg23[%swap3A_61], %select_n3A {strides = array<i32>} : memref<224xi32, #tpu.memory_space<vmem>>, vector<16xi32>,
      %swap3A_63 = arith.index_cast %mul3A_26 : i32 to index
      %swap3A_64 = tpu.vector_load %arg22[%swap3A_63] {strides = array<i32>} : memref<224xf32, #tpu.memory_space<vmem>>, vector<16xf32>,
      tpu.vector_store %arg22[%swap3A_63], %scan3A_54#2 {strides = array<i32>} : memref<224xf32, #tpu.memory_space<vmem>>, vector<16xf32>,
      %ge3A_65 = arith.constant 5.000000e-01 : f32
      %ge3A_66 = vector.broadcast %ge3A_65 : f32 to vector<16xf32>
      %ge3A_67 = arith.cmpf oge, %scan3A_54#2, %ge3A_66 : vector<16xf32>
      %select_n3A_68 = arith.select %ge3A_67, %scan3A_54#3, %broadcast_in_dim3A_57 : vector<16xi1>, vector<16xi32>
      %swap3A_69 = arith.index_cast %mul3A_26 : i32 to index
      %swap3A_70 = tpu.vector_load %arg23[%swap3A_69] {strides = array<i32>} : memref<224xi32, #tpu.memory_space<vmem>>, vector<16xi32>,
      tpu.vector_store %arg23[%swap3A_69], %select_n3A_68 {strides = array<i32>} : memref<224xi32, #tpu.memory_space<vmem>>, vector<16xi32>,
      %scan3A_71 = arith.constant 0 : i32
      scf.yield %scan3A_71 : i32
    }
    %scan3A_10 = arith.constant 7 : i32
    %mul3A_11 = arith.constant 224 : i32
    %mul3A_12 = arith.muli %add3A, %mul3A_11 : i32
    "tpu.region"() ({
      %run_scoped3A = tpu.sem_alloc : memref<!tpu.dma_semaphore, #tpu.memory_space<semaphore_mem>>
      %dma_start3A = tpu.memref_slice %arg11[%mul3A_12] : memref<7168xf32, #tpu.memory_space<hbm>> -> memref<224xf32, #tpu.memory_space<hbm>>
      %dma_start3A_15 = tpu.memref_slice %arg11[%mul3A_12] : memref<7168xf32, #tpu.memory_space<hbm>> -> memref<224xf32, #tpu.memory_space<hbm>>
      tpu.enqueue_dma source(%arg22 : memref<224xf32, #tpu.memory_space<vmem>>) target(%dma_start3A_15 : memref<224xf32, #tpu.memory_space<hbm>>) target_semaphore(%run_scoped3A : memref<!tpu.dma_semaphore, #tpu.memory_space<semaphore_mem>>)
      %dma_wait3A = tpu.memref_slice %arg11[%mul3A_12] : memref<7168xf32, #tpu.memory_space<hbm>> -> memref<224xf32, #tpu.memory_space<hbm>>
      %dma_wait3A_16 = tpu.memref_slice %arg11[%mul3A_12] : memref<7168xf32, #tpu.memory_space<hbm>> -> memref<224xf32, #tpu.memory_space<hbm>>
      tpu.wait_dma2 semaphore(%run_scoped3A : memref<!tpu.dma_semaphore, #tpu.memory_space<semaphore_mem>>) src(%arg22 : memref<224xf32, #tpu.memory_space<vmem>>) dst(%dma_wait3A_16 : memref<224xf32, #tpu.memory_space<hbm>>)
      tpu.yield
    }) : () -> ()
    %mul3A_13 = arith.constant 224 : i32
    %mul3A_14 = arith.muli %add3A, %mul3A_13 : i32
    "tpu.region"() ({
      %run_scoped3A = tpu.sem_alloc : memref<!tpu.dma_semaphore, #tpu.memory_space<semaphore_mem>>
      %dma_start3A = tpu.memref_slice %arg12[%mul3A_14] : memref<7168xi32, #tpu.memory_space<hbm>> -> memref<224xi32, #tpu.memory_space<hbm>>
      %dma_start3A_15 = tpu.memref_slice %arg12[%mul3A_14] : memref<7168xi32, #tpu.memory_space<hbm>> -> memref<224xi32, #tpu.memory_space<hbm>>
      tpu.enqueue_dma source(%arg23 : memref<224xi32, #tpu.memory_space<vmem>>) target(%dma_start3A_15 : memref<224xi32, #tpu.memory_space<hbm>>) target_semaphore(%run_scoped3A : memref<!tpu.dma_semaphore, #tpu.memory_space<semaphore_mem>>)
      %dma_wait3A = tpu.memref_slice %arg12[%mul3A_14] : memref<7168xi32, #tpu.memory_space<hbm>> -> memref<224xi32, #tpu.memory_space<hbm>>
      %dma_wait3A_16 = tpu.memref_slice %arg12[%mul3A_14] : memref<7168xi32, #tpu.memory_space<hbm>> -> memref<224xi32, #tpu.memory_space<hbm>>
      tpu.wait_dma2 semaphore(%run_scoped3A : memref<!tpu.dma_semaphore, #tpu.memory_space<semaphore_mem>>) src(%arg23 : memref<224xi32, #tpu.memory_space<vmem>>) dst(%dma_wait3A_16 : memref<224xi32, #tpu.memory_space<hbm>>)
      tpu.yield
    }) : () -> ()
    return
  }
}

#map = affine_map<(d0, d1) -> (0)>
#map1 = affine_map<(d0, d1) -> (0, 0)>
module attributes {stable_mosaic.version = 14 : i64} {
  func.func @_select_body(%arg0: i32, %arg1: i32, %arg2: memref<20480xi32, #tpu.memory_space<hbm>>, %arg3: memref<20480xi32, #tpu.memory_space<hbm>>, %arg4: memref<20480xf32, #tpu.memory_space<hbm>>, %arg5: memref<20480xf32, #tpu.memory_space<hbm>>, %arg6: memref<20480xf32, #tpu.memory_space<hbm>>, %arg7: memref<20480xf32, #tpu.memory_space<hbm>>, %arg8: memref<512xi32, #tpu.memory_space<hbm>>, %arg9: memref<512xi32, #tpu.memory_space<hbm>>, %arg10: memref<4x512xf32, #tpu.memory_space<hbm>>, %arg11: memref<20480xi32, #tpu.memory_space<vmem>>, %arg12: memref<20480xf32, #tpu.memory_space<vmem>>, %arg13: memref<20480xf32, #tpu.memory_space<vmem>>, %arg14: memref<20480xf32, #tpu.memory_space<vmem>>, %arg15: memref<20480xf32, #tpu.memory_space<vmem>>, %arg16: memref<640xi32, #tpu.memory_space<vmem>>, %arg17: memref<512xi32, #tpu.memory_space<vmem>>, %arg18: memref<512xi32, #tpu.memory_space<vmem>>, %arg19: memref<512xf32, #tpu.memory_space<vmem>>, %arg20: memref<512xf32, #tpu.memory_space<vmem>>, %arg21: memref<512xf32, #tpu.memory_space<vmem>>, %arg22: memref<512xf32, #tpu.memory_space<vmem>>, %arg23: memref<!tpu.dma_semaphore, #tpu.memory_space<semaphore_mem>>, %arg24: memref<!tpu.dma_semaphore, #tpu.memory_space<semaphore_mem>>) attributes {dimension_semantics = [#tpu.dimension_semantics<core_parallel>, #tpu.dimension_semantics<subcore_parallel>], iteration_bounds = array<i64: 2, 16>, scalar_prefetch = 0 : i64, scratch_operands = 14 : i64, tpu.core_type = #tpu.core_type<sc_vector_subcore>, window_params = [{transform_indices = #map}, {transform_indices = #map}, {transform_indices = #map}, {transform_indices = #map}, {transform_indices = #map}, {transform_indices = #map}, {transform_indices = #map}, {transform_indices = #map}, {transform_indices = #map1}]} {
    %mul3A = arith.constant 2 : i32
    %mul3A_0 = arith.muli %arg1, %mul3A : i32
    %add3A = arith.addi %mul3A_0, %arg0 : i32
    %eq3A = arith.constant 0 : i32
    %eq3A_1 = arith.cmpi eq, %add3A, %eq3A : i32
    %convert_element_type3A = arith.extui %eq3A_1 : i1 to i32
    %cond3A = arith.constant 0 : i32
    %cond3A_2 = arith.cmpi ne, %convert_element_type3A, %cond3A : i32
    scf.if %cond3A_2 {
      tpu.enqueue_dma source(%arg2 : memref<20480xi32, #tpu.memory_space<hbm>>) target(%arg11 : memref<20480xi32, #tpu.memory_space<vmem>>) target_semaphore(%arg23 : memref<!tpu.dma_semaphore, #tpu.memory_space<semaphore_mem>>)
      tpu.enqueue_dma source(%arg4 : memref<20480xf32, #tpu.memory_space<hbm>>) target(%arg12 : memref<20480xf32, #tpu.memory_space<vmem>>) target_semaphore(%arg24 : memref<!tpu.dma_semaphore, #tpu.memory_space<semaphore_mem>>)
      tpu.enqueue_dma source(%arg5 : memref<20480xf32, #tpu.memory_space<hbm>>) target(%arg13 : memref<20480xf32, #tpu.memory_space<vmem>>) target_semaphore(%arg24 : memref<!tpu.dma_semaphore, #tpu.memory_space<semaphore_mem>>)
      tpu.enqueue_dma source(%arg6 : memref<20480xf32, #tpu.memory_space<hbm>>) target(%arg14 : memref<20480xf32, #tpu.memory_space<vmem>>) target_semaphore(%arg24 : memref<!tpu.dma_semaphore, #tpu.memory_space<semaphore_mem>>)
      tpu.enqueue_dma source(%arg7 : memref<20480xf32, #tpu.memory_space<hbm>>) target(%arg15 : memref<20480xf32, #tpu.memory_space<vmem>>) target_semaphore(%arg24 : memref<!tpu.dma_semaphore, #tpu.memory_space<semaphore_mem>>)
      tpu.wait_dma2 semaphore(%arg23 : memref<!tpu.dma_semaphore, #tpu.memory_space<semaphore_mem>>) src(%arg2 : memref<20480xi32, #tpu.memory_space<hbm>>) dst(%arg11 : memref<20480xi32, #tpu.memory_space<vmem>>)
      %broadcast_in_dim3A = arith.constant 0 : i32
      %broadcast_in_dim3A_3 = vector.broadcast %broadcast_in_dim3A : i32 to vector<16xi32>
      %while3A = arith.constant 0 : i32
      %while3A_4:3 = scf.while (%while3A_38 = %while3A, %while3A_39 = %broadcast_in_dim3A_3, %while3A_40 = %broadcast_in_dim3A_3) : (i32, vector<16xi32>, vector<16xi32>) -> (i32, vector<16xi32>, vector<16xi32>) {
        %lt3A_41 = arith.constant 32 : i32
        %lt3A_42 = arith.cmpi slt, %while3A_38, %lt3A_41 : i32
        %reduce_max3A_43 = arith.constant true
        %reduce_max3A_44 = vector.broadcast %reduce_max3A_43 : i1 to vector<16xi1>
        %reduce_max3A_45 = arith.constant -2147483648 : i32
        %reduce_max3A_46 = vector.broadcast %reduce_max3A_45 : i32 to vector<16xi32>
        %reduce_max3A_47 = arith.xori %while3A_39, %reduce_max3A_46 : vector<16xi32>
        %reduce_max3A_48 = tpu.scan <max>, %reduce_max3A_47 masked %reduce_max3A_44 : vector<16xi32>, vector<16xi1> -> vector<16xi32>
        %reduce_max3A_49 = arith.xori %reduce_max3A_48, %reduce_max3A_46 : vector<16xi32>
        %reduce_max3A_50 = vector.extract %reduce_max3A_49[15] : i32 from vector<16xi32>
        %lt3A_51 = arith.constant 128 : i32
        %lt3A_52 = arith.cmpi slt, %reduce_max3A_50, %lt3A_51 : i32
        %reduce_max3A_53 = arith.constant true
        %reduce_max3A_54 = vector.broadcast %reduce_max3A_53 : i1 to vector<16xi1>
        %reduce_max3A_55 = arith.constant -2147483648 : i32
        %reduce_max3A_56 = vector.broadcast %reduce_max3A_55 : i32 to vector<16xi32>
        %reduce_max3A_57 = arith.xori %while3A_40, %reduce_max3A_56 : vector<16xi32>
        %reduce_max3A_58 = tpu.scan <max>, %reduce_max3A_57 masked %reduce_max3A_54 : vector<16xi32>, vector<16xi1> -> vector<16xi32>
        %reduce_max3A_59 = arith.xori %reduce_max3A_58, %reduce_max3A_56 : vector<16xi32>
        %reduce_max3A_60 = vector.extract %reduce_max3A_59[15] : i32 from vector<16xi32>
        %lt3A_61 = arith.constant 384 : i32
        %lt3A_62 = arith.cmpi slt, %reduce_max3A_60, %lt3A_61 : i32
        %or3A = arith.ori %lt3A_52, %lt3A_62 : i1
        %and3A = arith.andi %lt3A_42, %or3A : i1
        scf.condition(%and3A) %while3A_38, %while3A_39, %while3A_40 : i32, vector<16xi32>, vector<16xi32>
      } do {
      ^bb0(%while3A_38: i32, %while3A_39: vector<16xi32>, %while3A_40: vector<16xi32>):
        %mul3A_41 = arith.constant 640 : i32
        %mul3A_42 = arith.muli %while3A_38, %mul3A_41 : i32
        "tpu.region"() ({
          %run_scoped3A_51 = tpu.sem_alloc : memref<!tpu.dma_semaphore, #tpu.memory_space<semaphore_mem>>
          %dma_start3A = tpu.memref_slice %arg3[%mul3A_42] : memref<20480xi32, #tpu.memory_space<hbm>> -> memref<640xi32, #tpu.memory_space<hbm>>
          %dma_start3A_52 = tpu.memref_slice %arg3[%mul3A_42] : memref<20480xi32, #tpu.memory_space<hbm>> -> memref<640xi32, #tpu.memory_space<hbm>>
          tpu.enqueue_dma source(%dma_start3A_52 : memref<640xi32, #tpu.memory_space<hbm>>) target(%arg16 : memref<640xi32, #tpu.memory_space<vmem>>) target_semaphore(%run_scoped3A_51 : memref<!tpu.dma_semaphore, #tpu.memory_space<semaphore_mem>>)
          %dma_wait3A = tpu.memref_slice %arg3[%mul3A_42] : memref<20480xi32, #tpu.memory_space<hbm>> -> memref<640xi32, #tpu.memory_space<hbm>>
          %dma_wait3A_53 = tpu.memref_slice %arg3[%mul3A_42] : memref<20480xi32, #tpu.memory_space<hbm>> -> memref<640xi32, #tpu.memory_space<hbm>>
          tpu.wait_dma2 semaphore(%run_scoped3A_51 : memref<!tpu.dma_semaphore, #tpu.memory_space<semaphore_mem>>) src(%dma_wait3A_53 : memref<640xi32, #tpu.memory_space<hbm>>) dst(%arg16 : memref<640xi32, #tpu.memory_space<vmem>>)
          tpu.yield
        }) : () -> ()
        %scan3A_43 = arith.constant 0 : i32
        %scan3A_44 = arith.constant 40 : i32
        %scan3A_45 = arith.addi %scan3A_43, %scan3A_44 : i32
        %scan3A_46 = arith.constant 1 : i32
        %scan3A_47:2 = scf.for %scan3A_51 = %scan3A_43 to %scan3A_45 step %scan3A_46 iter_args(%scan3A_52 = %while3A_39, %scan3A_53 = %while3A_40) -> (vector<16xi32>, vector<16xi32>)  : i32 {
          %mul3A_54 = arith.constant 16 : i32
          %mul3A_55 = arith.muli %scan3A_51, %mul3A_54 : i32
          %get3A = arith.index_cast %mul3A_55 : i32 to index
          %get3A_56 = tpu.vector_load %arg16[%get3A] {strides = array<i32>} : memref<640xi32, #tpu.memory_space<vmem>>, vector<16xi32>,
          %gather3A = tpu.vector_load_idx %arg11[%get3A_56] : memref<20480xi32, #tpu.memory_space<vmem>>[vector<16xi32>], vector<16xi32>,
          %lt3A_57 = arith.constant 20100 : i32
          %lt3A_58 = vector.broadcast %lt3A_57 : i32 to vector<16xi32>
          %lt3A_59 = arith.cmpi slt, %get3A_56, %lt3A_58 : vector<16xi32>
          %lt3A_60 = arith.constant 80 : i32
          %lt3A_61 = vector.broadcast %lt3A_60 : i32 to vector<16xi32>
          %lt3A_62 = arith.cmpi slt, %gather3A, %lt3A_61 : vector<16xi32>
          %and3A = arith.andi %lt3A_62, %lt3A_59 : vector<16xi1>
          %eq3A_63 = arith.constant 80 : i32
          %eq3A_64 = vector.broadcast %eq3A_63 : i32 to vector<16xi32>
          %eq3A_65 = arith.cmpi eq, %gather3A, %eq3A_64 : vector<16xi32>
          %and3A_66 = arith.andi %eq3A_65, %lt3A_59 : vector<16xi1>
          %convert_element_type3A_67 = arith.extui %and3A : vector<16xi1> to vector<16xi32>
          %cumsum3A = arith.constant true
          %cumsum3A_68 = vector.broadcast %cumsum3A : i1 to vector<16xi1>
          %cumsum3A_69 = tpu.scan <sum>, %convert_element_type3A_67 masked %cumsum3A_68 : vector<16xi32>, vector<16xi1> -> vector<16xi32>
          %add3A_70 = arith.addi %scan3A_52, %cumsum3A_69 : vector<16xi32>
          %convert_element_type3A_71 = arith.extui %and3A_66 : vector<16xi1> to vector<16xi32>
          %cumsum3A_72 = arith.constant true
          %cumsum3A_73 = vector.broadcast %cumsum3A_72 : i1 to vector<16xi1>
          %cumsum3A_74 = tpu.scan <sum>, %convert_element_type3A_71 masked %cumsum3A_73 : vector<16xi32>, vector<16xi1> -> vector<16xi32>
          %add3A_75 = arith.addi %scan3A_53, %cumsum3A_74 : vector<16xi32>
          %le3A = arith.constant 128 : i32
          %le3A_76 = vector.broadcast %le3A : i32 to vector<16xi32>
          %le3A_77 = arith.cmpi sle, %add3A_70, %le3A_76 : vector<16xi32>
          %and3A_78 = arith.andi %and3A, %le3A_77 : vector<16xi1>
          %le3A_79 = arith.constant 384 : i32
          %le3A_80 = vector.broadcast %le3A_79 : i32 to vector<16xi32>
          %le3A_81 = arith.cmpi sle, %add3A_75, %le3A_80 : vector<16xi32>
          %and3A_82 = arith.andi %and3A_66, %le3A_81 : vector<16xi1>
          %sub3A = arith.constant 1 : i32
          %sub3A_83 = vector.broadcast %sub3A : i32 to vector<16xi32>
          %sub3A_84 = arith.subi %add3A_70, %sub3A_83 : vector<16xi32>
          tpu.vector_store_idx %arg17[%sub3A_84], %get3A_56 masked %and3A_78 : memref<512xi32, #tpu.memory_space<vmem>>[vector<16xi32>], vector<16xi32>, vector<16xi1>
          %add3A_85 = arith.constant 128 : i32
          %add3A_86 = vector.broadcast %add3A_85 : i32 to vector<16xi32>
          %add3A_87 = arith.addi %add3A_86, %add3A_75 : vector<16xi32>
          %sub3A_88 = arith.constant 1 : i32
          %sub3A_89 = vector.broadcast %sub3A_88 : i32 to vector<16xi32>
          %sub3A_90 = arith.subi %add3A_87, %sub3A_89 : vector<16xi32>
          tpu.vector_store_idx %arg17[%sub3A_90], %get3A_56 masked %and3A_82 : memref<512xi32, #tpu.memory_space<vmem>>[vector<16xi32>], vector<16xi32>, vector<16xi1>
          %all_reduce_population_count3A = tpu.all_reduce %and3A {dim = 0 : i64, kind = #tpu.reduction_kind<sum>} : vector<16xi1> -> vector<16xi32>
          %add3A_91 = arith.addi %scan3A_52, %all_reduce_population_count3A : vector<16xi32>
          %all_reduce_population_count3A_92 = tpu.all_reduce %and3A_66 {dim = 0 : i64, kind = #tpu.reduction_kind<sum>} : vector<16xi1> -> vector<16xi32>
          %add3A_93 = arith.addi %scan3A_53, %all_reduce_population_count3A_92 : vector<16xi32>
          scf.yield %add3A_91, %add3A_93 : vector<16xi32>, vector<16xi32>
        }
        %scan3A_48 = arith.constant 40 : i32
        %add3A_49 = arith.constant 1 : i32
        %add3A_50 = arith.addi %while3A_38, %add3A_49 : i32
        scf.yield %add3A_50, %scan3A_47#0, %scan3A_47#1 : i32, vector<16xi32>, vector<16xi32>
      }
      %reduce_max3A = arith.constant true
      %reduce_max3A_5 = vector.broadcast %reduce_max3A : i1 to vector<16xi1>
      %reduce_max3A_6 = arith.constant -2147483648 : i32
      %reduce_max3A_7 = vector.broadcast %reduce_max3A_6 : i32 to vector<16xi32>
      %reduce_max3A_8 = arith.xori %while3A_4#1, %reduce_max3A_7 : vector<16xi32>
      %reduce_max3A_9 = tpu.scan <max>, %reduce_max3A_8 masked %reduce_max3A_5 : vector<16xi32>, vector<16xi1> -> vector<16xi32>
      %reduce_max3A_10 = arith.xori %reduce_max3A_9, %reduce_max3A_7 : vector<16xi32>
      %reduce_max3A_11 = vector.extract %reduce_max3A_10[15] : i32 from vector<16xi32>
      %reduce_max3A_12 = arith.constant true
      %reduce_max3A_13 = vector.broadcast %reduce_max3A_12 : i1 to vector<16xi1>
      %reduce_max3A_14 = arith.constant -2147483648 : i32
      %reduce_max3A_15 = vector.broadcast %reduce_max3A_14 : i32 to vector<16xi32>
      %reduce_max3A_16 = arith.xori %while3A_4#2, %reduce_max3A_15 : vector<16xi32>
      %reduce_max3A_17 = tpu.scan <max>, %reduce_max3A_16 masked %reduce_max3A_13 : vector<16xi32>, vector<16xi1> -> vector<16xi32>
      %reduce_max3A_18 = arith.xori %reduce_max3A_17, %reduce_max3A_15 : vector<16xi32>
      %reduce_max3A_19 = vector.extract %reduce_max3A_18[15] : i32 from vector<16xi32>
      %lt3A = arith.constant 128 : i32
      %lt3A_20 = arith.cmpi slt, %reduce_max3A_11, %lt3A : i32
      %convert_element_type3A_21 = arith.extui %lt3A_20 : i1 to i32
      %cond3A_22 = arith.constant 0 : i32
      %cond3A_23 = arith.cmpi ne, %convert_element_type3A_21, %cond3A_22 : i32
      scf.if %cond3A_23 {
        %scan3A_38 = arith.constant 0 : i32
        %scan3A_39 = arith.constant 1280 : i32
        %scan3A_40 = arith.addi %scan3A_38, %scan3A_39 : i32
        %scan3A_41 = arith.constant 1 : i32
        %scan3A_42 = scf.for %scan3A_44 = %scan3A_38 to %scan3A_40 step %scan3A_41 iter_args(%scan3A_45 = %reduce_max3A_11) -> (i32)  : i32 {
          %mul3A_46 = arith.constant 16 : i32
          %mul3A_47 = arith.muli %scan3A_44, %mul3A_46 : i32
          %get3A = arith.index_cast %mul3A_47 : i32 to index
          %get3A_48 = tpu.vector_load %arg11[%get3A] {strides = array<i32>} : memref<20480xi32, #tpu.memory_space<vmem>>, vector<16xi32>,
          %mul3A_49 = arith.constant 16 : i32
          %mul3A_50 = arith.muli %scan3A_44, %mul3A_49 : i32
          %iota3A = tpu.iota {dimensions = array<i32: 0>} : vector<16xi32>
          %add3A_51 = vector.broadcast %mul3A_50 : i32 to vector<16xi32>
          %add3A_52 = arith.addi %add3A_51, %iota3A : vector<16xi32>
          %eq3A_53 = arith.constant 80 : i32
          %eq3A_54 = vector.broadcast %eq3A_53 : i32 to vector<16xi32>
          %eq3A_55 = arith.cmpi eq, %get3A_48, %eq3A_54 : vector<16xi32>
          %lt3A_56 = arith.constant 20100 : i32
          %lt3A_57 = vector.broadcast %lt3A_56 : i32 to vector<16xi32>
          %lt3A_58 = arith.cmpi slt, %add3A_52, %lt3A_57 : vector<16xi32>
          %and3A = arith.andi %eq3A_55, %lt3A_58 : vector<16xi1>
          %convert_element_type3A_59 = arith.extui %and3A : vector<16xi1> to vector<16xi32>
          %cumsum3A = arith.constant true
          %cumsum3A_60 = vector.broadcast %cumsum3A : i1 to vector<16xi1>
          %cumsum3A_61 = tpu.scan <sum>, %convert_element_type3A_59 masked %cumsum3A_60 : vector<16xi32>, vector<16xi1> -> vector<16xi32>
          %add3A_62 = vector.broadcast %scan3A_45 : i32 to vector<16xi32>
          %add3A_63 = arith.addi %add3A_62, %cumsum3A_61 : vector<16xi32>
          %le3A = arith.constant 128 : i32
          %le3A_64 = vector.broadcast %le3A : i32 to vector<16xi32>
          %le3A_65 = arith.cmpi sle, %add3A_63, %le3A_64 : vector<16xi32>
          %and3A_66 = arith.andi %and3A, %le3A_65 : vector<16xi1>
          %sub3A = arith.constant 1 : i32
          %sub3A_67 = vector.broadcast %sub3A : i32 to vector<16xi32>
          %sub3A_68 = arith.subi %add3A_63, %sub3A_67 : vector<16xi32>
          tpu.vector_store_idx %arg17[%sub3A_68], %add3A_52 masked %and3A_66 : memref<512xi32, #tpu.memory_space<vmem>>[vector<16xi32>], vector<16xi32>, vector<16xi1>
          %reduce_max3A_69 = arith.constant true
          %reduce_max3A_70 = vector.broadcast %reduce_max3A_69 : i1 to vector<16xi1>
          %reduce_max3A_71 = arith.constant -2147483648 : i32
          %reduce_max3A_72 = vector.broadcast %reduce_max3A_71 : i32 to vector<16xi32>
          %reduce_max3A_73 = arith.xori %add3A_63, %reduce_max3A_72 : vector<16xi32>
          %reduce_max3A_74 = tpu.scan <max>, %reduce_max3A_73 masked %reduce_max3A_70 : vector<16xi32>, vector<16xi1> -> vector<16xi32>
          %reduce_max3A_75 = arith.xori %reduce_max3A_74, %reduce_max3A_72 : vector<16xi32>
          %reduce_max3A_76 = vector.extract %reduce_max3A_75[15] : i32 from vector<16xi32>
          scf.yield %reduce_max3A_76 : i32
        }
        %scan3A_43 = arith.constant 1280 : i32
      } else {
      }
      %lt3A_24 = arith.constant 384 : i32
      %lt3A_25 = arith.cmpi slt, %reduce_max3A_19, %lt3A_24 : i32
      %convert_element_type3A_26 = arith.extui %lt3A_25 : i1 to i32
      %cond3A_27 = arith.constant 0 : i32
      %cond3A_28 = arith.cmpi ne, %convert_element_type3A_26, %cond3A_27 : i32
      scf.if %cond3A_28 {
        %scan3A_38 = arith.constant 0 : i32
        %scan3A_39 = arith.constant 1280 : i32
        %scan3A_40 = arith.addi %scan3A_38, %scan3A_39 : i32
        %scan3A_41 = arith.constant 1 : i32
        %scan3A_42 = scf.for %scan3A_44 = %scan3A_38 to %scan3A_40 step %scan3A_41 iter_args(%scan3A_45 = %reduce_max3A_19) -> (i32)  : i32 {
          %mul3A_46 = arith.constant 16 : i32
          %mul3A_47 = arith.muli %scan3A_44, %mul3A_46 : i32
          %get3A = arith.index_cast %mul3A_47 : i32 to index
          %get3A_48 = tpu.vector_load %arg11[%get3A] {strides = array<i32>} : memref<20480xi32, #tpu.memory_space<vmem>>, vector<16xi32>,
          %mul3A_49 = arith.constant 16 : i32
          %mul3A_50 = arith.muli %scan3A_44, %mul3A_49 : i32
          %iota3A = tpu.iota {dimensions = array<i32: 0>} : vector<16xi32>
          %add3A_51 = vector.broadcast %mul3A_50 : i32 to vector<16xi32>
          %add3A_52 = arith.addi %add3A_51, %iota3A : vector<16xi32>
          %lt3A_53 = arith.constant 80 : i32
          %lt3A_54 = vector.broadcast %lt3A_53 : i32 to vector<16xi32>
          %lt3A_55 = arith.cmpi slt, %get3A_48, %lt3A_54 : vector<16xi32>
          %lt3A_56 = arith.constant 20100 : i32
          %lt3A_57 = vector.broadcast %lt3A_56 : i32 to vector<16xi32>
          %lt3A_58 = arith.cmpi slt, %add3A_52, %lt3A_57 : vector<16xi32>
          %and3A = arith.andi %lt3A_55, %lt3A_58 : vector<16xi1>
          %convert_element_type3A_59 = arith.extui %and3A : vector<16xi1> to vector<16xi32>
          %cumsum3A = arith.constant true
          %cumsum3A_60 = vector.broadcast %cumsum3A : i1 to vector<16xi1>
          %cumsum3A_61 = tpu.scan <sum>, %convert_element_type3A_59 masked %cumsum3A_60 : vector<16xi32>, vector<16xi1> -> vector<16xi32>
          %add3A_62 = vector.broadcast %scan3A_45 : i32 to vector<16xi32>
          %add3A_63 = arith.addi %add3A_62, %cumsum3A_61 : vector<16xi32>
          %le3A = arith.constant 384 : i32
          %le3A_64 = vector.broadcast %le3A : i32 to vector<16xi32>
          %le3A_65 = arith.cmpi sle, %add3A_63, %le3A_64 : vector<16xi32>
          %and3A_66 = arith.andi %and3A, %le3A_65 : vector<16xi1>
          %add3A_67 = arith.constant 128 : i32
          %add3A_68 = vector.broadcast %add3A_67 : i32 to vector<16xi32>
          %add3A_69 = arith.addi %add3A_68, %add3A_63 : vector<16xi32>
          %sub3A = arith.constant 1 : i32
          %sub3A_70 = vector.broadcast %sub3A : i32 to vector<16xi32>
          %sub3A_71 = arith.subi %add3A_69, %sub3A_70 : vector<16xi32>
          tpu.vector_store_idx %arg17[%sub3A_71], %add3A_52 masked %and3A_66 : memref<512xi32, #tpu.memory_space<vmem>>[vector<16xi32>], vector<16xi32>, vector<16xi1>
          %reduce_max3A_72 = arith.constant true
          %reduce_max3A_73 = vector.broadcast %reduce_max3A_72 : i1 to vector<16xi1>
          %reduce_max3A_74 = arith.constant -2147483648 : i32
          %reduce_max3A_75 = vector.broadcast %reduce_max3A_74 : i32 to vector<16xi32>
          %reduce_max3A_76 = arith.xori %add3A_63, %reduce_max3A_75 : vector<16xi32>
          %reduce_max3A_77 = tpu.scan <max>, %reduce_max3A_76 masked %reduce_max3A_73 : vector<16xi32>, vector<16xi1> -> vector<16xi32>
          %reduce_max3A_78 = arith.xori %reduce_max3A_77, %reduce_max3A_75 : vector<16xi32>
          %reduce_max3A_79 = vector.extract %reduce_max3A_78[15] : i32 from vector<16xi32>
          scf.yield %reduce_max3A_79 : i32
        }
        %scan3A_43 = arith.constant 1280 : i32
      } else {
      }
      tpu.wait_dma2 semaphore(%arg24 : memref<!tpu.dma_semaphore, #tpu.memory_space<semaphore_mem>>) src(%arg4 : memref<20480xf32, #tpu.memory_space<hbm>>) dst(%arg12 : memref<20480xf32, #tpu.memory_space<vmem>>)
      tpu.wait_dma2 semaphore(%arg24 : memref<!tpu.dma_semaphore, #tpu.memory_space<semaphore_mem>>) src(%arg5 : memref<20480xf32, #tpu.memory_space<hbm>>) dst(%arg13 : memref<20480xf32, #tpu.memory_space<vmem>>)
      tpu.wait_dma2 semaphore(%arg24 : memref<!tpu.dma_semaphore, #tpu.memory_space<semaphore_mem>>) src(%arg6 : memref<20480xf32, #tpu.memory_space<hbm>>) dst(%arg14 : memref<20480xf32, #tpu.memory_space<vmem>>)
      tpu.wait_dma2 semaphore(%arg24 : memref<!tpu.dma_semaphore, #tpu.memory_space<semaphore_mem>>) src(%arg7 : memref<20480xf32, #tpu.memory_space<hbm>>) dst(%arg15 : memref<20480xf32, #tpu.memory_space<vmem>>)
      %scan3A = arith.constant 0 : i32
      %scan3A_29 = arith.constant 0 : i32
      %scan3A_30 = arith.constant 32 : i32
      %scan3A_31 = arith.addi %scan3A_29, %scan3A_30 : i32
      %scan3A_32 = arith.constant 1 : i32
      %scan3A_33 = scf.for %scan3A_38 = %scan3A_29 to %scan3A_31 step %scan3A_32 iter_args(%scan3A_39 = %scan3A) -> (i32)  : i32 {
        %mul3A_40 = arith.constant 16 : i32
        %mul3A_41 = arith.muli %scan3A_38, %mul3A_40 : i32
        %get3A = arith.index_cast %mul3A_41 : i32 to index
        %get3A_42 = tpu.vector_load %arg17[%get3A] {strides = array<i32>} : memref<512xi32, #tpu.memory_space<vmem>>, vector<16xi32>,
        %gather3A = tpu.vector_load_idx %arg11[%get3A_42] : memref<20480xi32, #tpu.memory_space<vmem>>[vector<16xi32>], vector<16xi32>,
        %swap3A = arith.index_cast %mul3A_41 : i32 to index
        %swap3A_43 = tpu.vector_load %arg18[%swap3A] {strides = array<i32>} : memref<512xi32, #tpu.memory_space<vmem>>, vector<16xi32>,
        tpu.vector_store %arg18[%swap3A], %gather3A {strides = array<i32>} : memref<512xi32, #tpu.memory_space<vmem>>, vector<16xi32>,
        %gather3A_44 = tpu.vector_load_idx %arg12[%get3A_42] : memref<20480xf32, #tpu.memory_space<vmem>>[vector<16xi32>], vector<16xf32>,
        %swap3A_45 = arith.index_cast %mul3A_41 : i32 to index
        %swap3A_46 = tpu.vector_load %arg19[%swap3A_45] {strides = array<i32>} : memref<512xf32, #tpu.memory_space<vmem>>, vector<16xf32>,
        tpu.vector_store %arg19[%swap3A_45], %gather3A_44 {strides = array<i32>} : memref<512xf32, #tpu.memory_space<vmem>>, vector<16xf32>,
        %gather3A_47 = tpu.vector_load_idx %arg13[%get3A_42] : memref<20480xf32, #tpu.memory_space<vmem>>[vector<16xi32>], vector<16xf32>,
        %swap3A_48 = arith.index_cast %mul3A_41 : i32 to index
        %swap3A_49 = tpu.vector_load %arg20[%swap3A_48] {strides = array<i32>} : memref<512xf32, #tpu.memory_space<vmem>>, vector<16xf32>,
        tpu.vector_store %arg20[%swap3A_48], %gather3A_47 {strides = array<i32>} : memref<512xf32, #tpu.memory_space<vmem>>, vector<16xf32>,
        %gather3A_50 = tpu.vector_load_idx %arg14[%get3A_42] : memref<20480xf32, #tpu.memory_space<vmem>>[vector<16xi32>], vector<16xf32>,
        %swap3A_51 = arith.index_cast %mul3A_41 : i32 to index
        %swap3A_52 = tpu.vector_load %arg21[%swap3A_51] {strides = array<i32>} : memref<512xf32, #tpu.memory_space<vmem>>, vector<16xf32>,
        tpu.vector_store %arg21[%swap3A_51], %gather3A_50 {strides = array<i32>} : memref<512xf32, #tpu.memory_space<vmem>>, vector<16xf32>,
        %gather3A_53 = tpu.vector_load_idx %arg15[%get3A_42] : memref<20480xf32, #tpu.memory_space<vmem>>[vector<16xi32>], vector<16xf32>,
        %swap3A_54 = arith.index_cast %mul3A_41 : i32 to index
        %swap3A_55 = tpu.vector_load %arg22[%swap3A_54] {strides = array<i32>} : memref<512xf32, #tpu.memory_space<vmem>>, vector<16xf32>,
        tpu.vector_store %arg22[%swap3A_54], %gather3A_53 {strides = array<i32>} : memref<512xf32, #tpu.memory_space<vmem>>, vector<16xf32>,
        %scan3A_56 = arith.constant 0 : i32
        scf.yield %scan3A_56 : i32
      }
      %scan3A_34 = arith.constant 32 : i32
      "tpu.region"() ({
        %run_scoped3A_38 = tpu.sem_alloc : memref<!tpu.dma_semaphore, #tpu.memory_space<semaphore_mem>>
        tpu.enqueue_dma source(%arg17 : memref<512xi32, #tpu.memory_space<vmem>>) target(%arg8 : memref<512xi32, #tpu.memory_space<hbm>>) target_semaphore(%run_scoped3A_38 : memref<!tpu.dma_semaphore, #tpu.memory_space<semaphore_mem>>)
        tpu.wait_dma2 semaphore(%run_scoped3A_38 : memref<!tpu.dma_semaphore, #tpu.memory_space<semaphore_mem>>) src(%arg17 : memref<512xi32, #tpu.memory_space<vmem>>) dst(%arg8 : memref<512xi32, #tpu.memory_space<hbm>>)
        tpu.yield
      }) : () -> ()
      "tpu.region"() ({
        %run_scoped3A_38 = tpu.sem_alloc : memref<!tpu.dma_semaphore, #tpu.memory_space<semaphore_mem>>
        tpu.enqueue_dma source(%arg18 : memref<512xi32, #tpu.memory_space<vmem>>) target(%arg9 : memref<512xi32, #tpu.memory_space<hbm>>) target_semaphore(%run_scoped3A_38 : memref<!tpu.dma_semaphore, #tpu.memory_space<semaphore_mem>>)
        tpu.wait_dma2 semaphore(%run_scoped3A_38 : memref<!tpu.dma_semaphore, #tpu.memory_space<semaphore_mem>>) src(%arg18 : memref<512xi32, #tpu.memory_space<vmem>>) dst(%arg9 : memref<512xi32, #tpu.memory_space<hbm>>)
        tpu.yield
      }) : () -> ()
      %run_scoped3A = arith.constant 0 : i32
      "tpu.region"() ({
        %run_scoped3A_38 = tpu.sem_alloc : memref<!tpu.dma_semaphore, #tpu.memory_space<semaphore_mem>>
        %dma_start3A = arith.constant 0 : i32
        %dma_start3A_39 = tpu.memref_slice %arg10[%run_scoped3A, %dma_start3A] : memref<4x512xf32, #tpu.memory_space<hbm>> -> memref<1x512xf32, #tpu.memory_space<hbm>>
        %dma_start3A_40 = tpu.memref_squeeze %dma_start3A_39 : memref<1x512xf32, #tpu.memory_space<hbm>> -> memref<512xf32, #tpu.memory_space<hbm>>
        %dma_start3A_41 = arith.constant 0 : i32
        %dma_start3A_42 = tpu.memref_slice %arg10[%run_scoped3A, %dma_start3A_41] : memref<4x512xf32, #tpu.memory_space<hbm>> -> memref<1x512xf32, #tpu.memory_space<hbm>>
        %dma_start3A_43 = tpu.memref_squeeze %dma_start3A_42 : memref<1x512xf32, #tpu.memory_space<hbm>> -> memref<512xf32, #tpu.memory_space<hbm>>
        tpu.enqueue_dma source(%arg19 : memref<512xf32, #tpu.memory_space<vmem>>) target(%dma_start3A_43 : memref<512xf32, #tpu.memory_space<hbm>>) target_semaphore(%run_scoped3A_38 : memref<!tpu.dma_semaphore, #tpu.memory_space<semaphore_mem>>)
        %dma_wait3A = arith.constant 0 : i32
        %dma_wait3A_44 = tpu.memref_slice %arg10[%run_scoped3A, %dma_wait3A] : memref<4x512xf32, #tpu.memory_space<hbm>> -> memref<1x512xf32, #tpu.memory_space<hbm>>
        %dma_wait3A_45 = tpu.memref_squeeze %dma_wait3A_44 : memref<1x512xf32, #tpu.memory_space<hbm>> -> memref<512xf32, #tpu.memory_space<hbm>>
        %dma_wait3A_46 = arith.constant 0 : i32
        %dma_wait3A_47 = tpu.memref_slice %arg10[%run_scoped3A, %dma_wait3A_46] : memref<4x512xf32, #tpu.memory_space<hbm>> -> memref<1x512xf32, #tpu.memory_space<hbm>>
        %dma_wait3A_48 = tpu.memref_squeeze %dma_wait3A_47 : memref<1x512xf32, #tpu.memory_space<hbm>> -> memref<512xf32, #tpu.memory_space<hbm>>
        tpu.wait_dma2 semaphore(%run_scoped3A_38 : memref<!tpu.dma_semaphore, #tpu.memory_space<semaphore_mem>>) src(%arg19 : memref<512xf32, #tpu.memory_space<vmem>>) dst(%dma_wait3A_48 : memref<512xf32, #tpu.memory_space<hbm>>)
        tpu.yield
      }) : () -> ()
      %run_scoped3A_35 = arith.constant 1 : i32
      "tpu.region"() ({
        %run_scoped3A_38 = tpu.sem_alloc : memref<!tpu.dma_semaphore, #tpu.memory_space<semaphore_mem>>
        %dma_start3A = arith.constant 0 : i32
        %dma_start3A_39 = tpu.memref_slice %arg10[%run_scoped3A_35, %dma_start3A] : memref<4x512xf32, #tpu.memory_space<hbm>> -> memref<1x512xf32, #tpu.memory_space<hbm>>
        %dma_start3A_40 = tpu.memref_squeeze %dma_start3A_39 : memref<1x512xf32, #tpu.memory_space<hbm>> -> memref<512xf32, #tpu.memory_space<hbm>>
        %dma_start3A_41 = arith.constant 0 : i32
        %dma_start3A_42 = tpu.memref_slice %arg10[%run_scoped3A_35, %dma_start3A_41] : memref<4x512xf32, #tpu.memory_space<hbm>> -> memref<1x512xf32, #tpu.memory_space<hbm>>
        %dma_start3A_43 = tpu.memref_squeeze %dma_start3A_42 : memref<1x512xf32, #tpu.memory_space<hbm>> -> memref<512xf32, #tpu.memory_space<hbm>>
        tpu.enqueue_dma source(%arg20 : memref<512xf32, #tpu.memory_space<vmem>>) target(%dma_start3A_43 : memref<512xf32, #tpu.memory_space<hbm>>) target_semaphore(%run_scoped3A_38 : memref<!tpu.dma_semaphore, #tpu.memory_space<semaphore_mem>>)
        %dma_wait3A = arith.constant 0 : i32
        %dma_wait3A_44 = tpu.memref_slice %arg10[%run_scoped3A_35, %dma_wait3A] : memref<4x512xf32, #tpu.memory_space<hbm>> -> memref<1x512xf32, #tpu.memory_space<hbm>>
        %dma_wait3A_45 = tpu.memref_squeeze %dma_wait3A_44 : memref<1x512xf32, #tpu.memory_space<hbm>> -> memref<512xf32, #tpu.memory_space<hbm>>
        %dma_wait3A_46 = arith.constant 0 : i32
        %dma_wait3A_47 = tpu.memref_slice %arg10[%run_scoped3A_35, %dma_wait3A_46] : memref<4x512xf32, #tpu.memory_space<hbm>> -> memref<1x512xf32, #tpu.memory_space<hbm>>
        %dma_wait3A_48 = tpu.memref_squeeze %dma_wait3A_47 : memref<1x512xf32, #tpu.memory_space<hbm>> -> memref<512xf32, #tpu.memory_space<hbm>>
        tpu.wait_dma2 semaphore(%run_scoped3A_38 : memref<!tpu.dma_semaphore, #tpu.memory_space<semaphore_mem>>) src(%arg20 : memref<512xf32, #tpu.memory_space<vmem>>) dst(%dma_wait3A_48 : memref<512xf32, #tpu.memory_space<hbm>>)
        tpu.yield
      }) : () -> ()
      %run_scoped3A_36 = arith.constant 2 : i32
      "tpu.region"() ({
        %run_scoped3A_38 = tpu.sem_alloc : memref<!tpu.dma_semaphore, #tpu.memory_space<semaphore_mem>>
        %dma_start3A = arith.constant 0 : i32
        %dma_start3A_39 = tpu.memref_slice %arg10[%run_scoped3A_36, %dma_start3A] : memref<4x512xf32, #tpu.memory_space<hbm>> -> memref<1x512xf32, #tpu.memory_space<hbm>>
        %dma_start3A_40 = tpu.memref_squeeze %dma_start3A_39 : memref<1x512xf32, #tpu.memory_space<hbm>> -> memref<512xf32, #tpu.memory_space<hbm>>
        %dma_start3A_41 = arith.constant 0 : i32
        %dma_start3A_42 = tpu.memref_slice %arg10[%run_scoped3A_36, %dma_start3A_41] : memref<4x512xf32, #tpu.memory_space<hbm>> -> memref<1x512xf32, #tpu.memory_space<hbm>>
        %dma_start3A_43 = tpu.memref_squeeze %dma_start3A_42 : memref<1x512xf32, #tpu.memory_space<hbm>> -> memref<512xf32, #tpu.memory_space<hbm>>
        tpu.enqueue_dma source(%arg21 : memref<512xf32, #tpu.memory_space<vmem>>) target(%dma_start3A_43 : memref<512xf32, #tpu.memory_space<hbm>>) target_semaphore(%run_scoped3A_38 : memref<!tpu.dma_semaphore, #tpu.memory_space<semaphore_mem>>)
        %dma_wait3A = arith.constant 0 : i32
        %dma_wait3A_44 = tpu.memref_slice %arg10[%run_scoped3A_36, %dma_wait3A] : memref<4x512xf32, #tpu.memory_space<hbm>> -> memref<1x512xf32, #tpu.memory_space<hbm>>
        %dma_wait3A_45 = tpu.memref_squeeze %dma_wait3A_44 : memref<1x512xf32, #tpu.memory_space<hbm>> -> memref<512xf32, #tpu.memory_space<hbm>>
        %dma_wait3A_46 = arith.constant 0 : i32
        %dma_wait3A_47 = tpu.memref_slice %arg10[%run_scoped3A_36, %dma_wait3A_46] : memref<4x512xf32, #tpu.memory_space<hbm>> -> memref<1x512xf32, #tpu.memory_space<hbm>>
        %dma_wait3A_48 = tpu.memref_squeeze %dma_wait3A_47 : memref<1x512xf32, #tpu.memory_space<hbm>> -> memref<512xf32, #tpu.memory_space<hbm>>
        tpu.wait_dma2 semaphore(%run_scoped3A_38 : memref<!tpu.dma_semaphore, #tpu.memory_space<semaphore_mem>>) src(%arg21 : memref<512xf32, #tpu.memory_space<vmem>>) dst(%dma_wait3A_48 : memref<512xf32, #tpu.memory_space<hbm>>)
        tpu.yield
      }) : () -> ()
      %run_scoped3A_37 = arith.constant 3 : i32
      "tpu.region"() ({
        %run_scoped3A_38 = tpu.sem_alloc : memref<!tpu.dma_semaphore, #tpu.memory_space<semaphore_mem>>
        %dma_start3A = arith.constant 0 : i32
        %dma_start3A_39 = tpu.memref_slice %arg10[%run_scoped3A_37, %dma_start3A] : memref<4x512xf32, #tpu.memory_space<hbm>> -> memref<1x512xf32, #tpu.memory_space<hbm>>
        %dma_start3A_40 = tpu.memref_squeeze %dma_start3A_39 : memref<1x512xf32, #tpu.memory_space<hbm>> -> memref<512xf32, #tpu.memory_space<hbm>>
        %dma_start3A_41 = arith.constant 0 : i32
        %dma_start3A_42 = tpu.memref_slice %arg10[%run_scoped3A_37, %dma_start3A_41] : memref<4x512xf32, #tpu.memory_space<hbm>> -> memref<1x512xf32, #tpu.memory_space<hbm>>
        %dma_start3A_43 = tpu.memref_squeeze %dma_start3A_42 : memref<1x512xf32, #tpu.memory_space<hbm>> -> memref<512xf32, #tpu.memory_space<hbm>>
        tpu.enqueue_dma source(%arg22 : memref<512xf32, #tpu.memory_space<vmem>>) target(%dma_start3A_43 : memref<512xf32, #tpu.memory_space<hbm>>) target_semaphore(%run_scoped3A_38 : memref<!tpu.dma_semaphore, #tpu.memory_space<semaphore_mem>>)
        %dma_wait3A = arith.constant 0 : i32
        %dma_wait3A_44 = tpu.memref_slice %arg10[%run_scoped3A_37, %dma_wait3A] : memref<4x512xf32, #tpu.memory_space<hbm>> -> memref<1x512xf32, #tpu.memory_space<hbm>>
        %dma_wait3A_45 = tpu.memref_squeeze %dma_wait3A_44 : memref<1x512xf32, #tpu.memory_space<hbm>> -> memref<512xf32, #tpu.memory_space<hbm>>
        %dma_wait3A_46 = arith.constant 0 : i32
        %dma_wait3A_47 = tpu.memref_slice %arg10[%run_scoped3A_37, %dma_wait3A_46] : memref<4x512xf32, #tpu.memory_space<hbm>> -> memref<1x512xf32, #tpu.memory_space<hbm>>
        %dma_wait3A_48 = tpu.memref_squeeze %dma_wait3A_47 : memref<1x512xf32, #tpu.memory_space<hbm>> -> memref<512xf32, #tpu.memory_space<hbm>>
        tpu.wait_dma2 semaphore(%run_scoped3A_38 : memref<!tpu.dma_semaphore, #tpu.memory_space<semaphore_mem>>) src(%arg22 : memref<512xf32, #tpu.memory_space<vmem>>) dst(%dma_wait3A_48 : memref<512xf32, #tpu.memory_space<hbm>>)
        tpu.yield
      }) : () -> ()
    } else {
    }
    return
  }
}

module attributes {stable_mosaic.version = 14 : i64} {
  func.func @_tc_iou_body(%arg0: i32, %arg1: memref<128xf32, #tpu.memory_space<smem>>, %arg2: memref<128xf32, #tpu.memory_space<smem>>, %arg3: memref<128xf32, #tpu.memory_space<smem>>, %arg4: memref<128xf32, #tpu.memory_space<smem>>, %arg5: memref<128xi32, #tpu.memory_space<smem>>, %arg6: memref<8x128xf32, #tpu.memory_space<vmem>>, %arg7: memref<8x128xf32, #tpu.memory_space<vmem>>, %arg8: memref<8x128xf32, #tpu.memory_space<vmem>>, %arg9: memref<8x128xf32, #tpu.memory_space<vmem>>, %arg10: memref<8x128xf32, #tpu.memory_space<vmem>>, %arg11: memref<8x128xi32, #tpu.memory_space<vmem>>) attributes {dimension_semantics = [#tpu.dimension_semantics<arbitrary>], iteration_bounds = array<i64: 13>, scalar_prefetch = 0 : i64, scratch_operands = 0 : i64, tpu.core_type = #tpu.core_type<tc>, window_params = [{transform_indices = @transform_0, window_bounds = array<i64: 128>}, {transform_indices = @transform_1, window_bounds = array<i64: 128>}, {transform_indices = @transform_2, window_bounds = array<i64: 128>}, {transform_indices = @transform_3, window_bounds = array<i64: 128>}, {transform_indices = @transform_4, window_bounds = array<i64: 128>}, {transform_indices = @transform_5, window_bounds = array<i64: 8, 128>}, {transform_indices = @transform_6, window_bounds = array<i64: 8, 128>}, {transform_indices = @transform_7, window_bounds = array<i64: 8, 128>}, {transform_indices = @transform_8, window_bounds = array<i64: 8, 128>}, {transform_indices = @transform_9, window_bounds = array<i64: 8, 128>}, {transform_indices = @transform_10, window_bounds = array<i64: 8, 128>}]} {
    %get3A = arith.constant 0 : index
    %get3A_0 = arith.constant 0 : index
    %get3A_1 = vector.load %arg6[%get3A, %get3A_0] : memref<8x128xf32, #tpu.memory_space<vmem>>, vector<8x128xf32>
    %get3A_2 = arith.constant 0 : index
    %get3A_3 = arith.constant 0 : index
    %get3A_4 = vector.load %arg7[%get3A_2, %get3A_3] : memref<8x128xf32, #tpu.memory_space<vmem>>, vector<8x128xf32>
    %get3A_5 = arith.constant 0 : index
    %get3A_6 = arith.constant 0 : index
    %get3A_7 = vector.load %arg8[%get3A_5, %get3A_6] : memref<8x128xf32, #tpu.memory_space<vmem>>, vector<8x128xf32>
    %get3A_8 = arith.constant 0 : index
    %get3A_9 = arith.constant 0 : index
    %get3A_10 = vector.load %arg9[%get3A_8, %get3A_9] : memref<8x128xf32, #tpu.memory_space<vmem>>, vector<8x128xf32>
    %sub3A = arith.subf %get3A_7, %get3A_1 : vector<8x128xf32>
    %sub3A_11 = arith.subf %get3A_10, %get3A_4 : vector<8x128xf32>
    %mul3A = arith.mulf %sub3A, %sub3A_11 : vector<8x128xf32>
    %broadcast_in_dim3A = arith.constant -1.000000e+00 : f32
    %broadcast_in_dim3A_12 = vector.broadcast %broadcast_in_dim3A : f32 to vector<8x128xf32>
    %broadcast_in_dim3A_13 = arith.constant 0 : i32
    %broadcast_in_dim3A_14 = vector.broadcast %broadcast_in_dim3A_13 : i32 to vector<8x128xi32>
    %scan3A = arith.constant 0 : i32
    %scan3A_15 = arith.constant 25 : i32
    %scan3A_16 = arith.addi %scan3A, %scan3A_15 : i32
    %scan3A_17 = arith.constant 1 : i32
    %scan3A_18:2 = scf.for %scan3A_28 = %scan3A to %scan3A_16 step %scan3A_17 iter_args(%scan3A_29 = %broadcast_in_dim3A_12, %scan3A_30 = %broadcast_in_dim3A_14) -> (vector<8x128xf32>, vector<8x128xi32>)  : i32 {
      %mul3A_31 = arith.constant 4 : i32
      %mul3A_32 = arith.muli %scan3A_28, %mul3A_31 : i32
      %add3A = arith.constant 0 : i32
      %add3A_33 = arith.addi %mul3A_32, %add3A : i32
      %get3A_34 = arith.index_cast %add3A_33 : i32 to index
      %get3A_35 = memref.load %arg1[%get3A_34] : memref<128xf32, #tpu.memory_space<smem>>
      %get3A_36 = arith.index_cast %add3A_33 : i32 to index
      %get3A_37 = memref.load %arg2[%get3A_36] : memref<128xf32, #tpu.memory_space<smem>>
      %get3A_38 = arith.index_cast %add3A_33 : i32 to index
      %get3A_39 = memref.load %arg3[%get3A_38] : memref<128xf32, #tpu.memory_space<smem>>
      %get3A_40 = arith.index_cast %add3A_33 : i32 to index
      %get3A_41 = memref.load %arg4[%get3A_40] : memref<128xf32, #tpu.memory_space<smem>>
      %get3A_42 = arith.index_cast %add3A_33 : i32 to index
      %get3A_43 = memref.load %arg5[%get3A_42] : memref<128xi32, #tpu.memory_space<smem>>
      %sub3A_44 = arith.subf %get3A_39, %get3A_35 : f32
      %sub3A_45 = arith.subf %get3A_41, %get3A_37 : f32
      %mul3A_46 = arith.mulf %sub3A_44, %sub3A_45 : f32
      %max3A = vector.broadcast %get3A_35 : f32 to vector<8x128xf32>
      %max3A_47 = arith.maximumf %get3A_1, %max3A : vector<8x128xf32>
      %max3A_48 = vector.broadcast %get3A_37 : f32 to vector<8x128xf32>
      %max3A_49 = arith.maximumf %get3A_4, %max3A_48 : vector<8x128xf32>
      %min3A = vector.broadcast %get3A_39 : f32 to vector<8x128xf32>
      %min3A_50 = arith.minimumf %get3A_7, %min3A : vector<8x128xf32>
      %min3A_51 = vector.broadcast %get3A_41 : f32 to vector<8x128xf32>
      %min3A_52 = arith.minimumf %get3A_10, %min3A_51 : vector<8x128xf32>
      %sub3A_53 = arith.subf %min3A_50, %max3A_47 : vector<8x128xf32>
      %max3A_54 = arith.constant 0.000000e+00 : f32
      %max3A_55 = vector.broadcast %max3A_54 : f32 to vector<8x128xf32>
      %max3A_56 = arith.maximumf %sub3A_53, %max3A_55 : vector<8x128xf32>
      %sub3A_57 = arith.subf %min3A_52, %max3A_49 : vector<8x128xf32>
      %max3A_58 = arith.constant 0.000000e+00 : f32
      %max3A_59 = vector.broadcast %max3A_58 : f32 to vector<8x128xf32>
      %max3A_60 = arith.maximumf %sub3A_57, %max3A_59 : vector<8x128xf32>
      %mul3A_61 = arith.mulf %max3A_56, %max3A_60 : vector<8x128xf32>
      %add3A_62 = vector.broadcast %mul3A_46 : f32 to vector<8x128xf32>
      %add3A_63 = arith.addf %add3A_62, %mul3A : vector<8x128xf32>
      %sub3A_64 = arith.subf %add3A_63, %mul3A_61 : vector<8x128xf32>
      %gt3A = arith.constant 0.000000e+00 : f32
      %gt3A_65 = vector.broadcast %gt3A : f32 to vector<8x128xf32>
      %gt3A_66 = arith.cmpf ogt, %mul3A_61, %gt3A_65 : vector<8x128xf32>
      %max3A_67 = arith.constant 9.99999993E-9 : f32
      %max3A_68 = vector.broadcast %max3A_67 : f32 to vector<8x128xf32>
      %max3A_69 = arith.maximumf %sub3A_64, %max3A_68 : vector<8x128xf32>
      %div3A = arith.divf %mul3A_61, %max3A_69 : vector<8x128xf32>
      %jit3A_70 = arith.constant 0.000000e+00 : f32
      %broadcast_in_dim3A_71 = vector.broadcast %jit3A_70 : f32 to vector<8x128xf32>
      %select_n3A_72 = arith.select %gt3A_66, %div3A, %broadcast_in_dim3A_71 : vector<8x128xi1>, vector<8x128xf32>
      %gt3A_73 = arith.cmpf ogt, %select_n3A_72, %scan3A_29 : vector<8x128xf32>
      %select_n3A_74 = arith.select %gt3A_73, %select_n3A_72, %scan3A_29 : vector<8x128xi1>, vector<8x128xf32>
      %broadcast_in_dim3A_75 = vector.broadcast %get3A_43 : i32 to vector<8x128xi32>
      %select_n3A_76 = arith.select %gt3A_73, %broadcast_in_dim3A_75, %scan3A_30 : vector<8x128xi1>, vector<8x128xi32>
      %add3A_77 = arith.constant 1 : i32
      %add3A_78 = arith.addi %mul3A_32, %add3A_77 : i32
      %get3A_79 = arith.index_cast %add3A_78 : i32 to index
      %get3A_80 = memref.load %arg1[%get3A_79] : memref<128xf32, #tpu.memory_space<smem>>
      %get3A_81 = arith.index_cast %add3A_78 : i32 to index
      %get3A_82 = memref.load %arg2[%get3A_81] : memref<128xf32, #tpu.memory_space<smem>>
      %get3A_83 = arith.index_cast %add3A_78 : i32 to index
      %get3A_84 = memref.load %arg3[%get3A_83] : memref<128xf32, #tpu.memory_space<smem>>
      %get3A_85 = arith.index_cast %add3A_78 : i32 to index
      %get3A_86 = memref.load %arg4[%get3A_85] : memref<128xf32, #tpu.memory_space<smem>>
      %get3A_87 = arith.index_cast %add3A_78 : i32 to index
      %get3A_88 = memref.load %arg5[%get3A_87] : memref<128xi32, #tpu.memory_space<smem>>
      %sub3A_89 = arith.subf %get3A_84, %get3A_80 : f32
      %sub3A_90 = arith.subf %get3A_86, %get3A_82 : f32
      %mul3A_91 = arith.mulf %sub3A_89, %sub3A_90 : f32
      %max3A_92 = vector.broadcast %get3A_80 : f32 to vector<8x128xf32>
      %max3A_93 = arith.maximumf %get3A_1, %max3A_92 : vector<8x128xf32>
      %max3A_94 = vector.broadcast %get3A_82 : f32 to vector<8x128xf32>
      %max3A_95 = arith.maximumf %get3A_4, %max3A_94 : vector<8x128xf32>
      %min3A_96 = vector.broadcast %get3A_84 : f32 to vector<8x128xf32>
      %min3A_97 = arith.minimumf %get3A_7, %min3A_96 : vector<8x128xf32>
      %min3A_98 = vector.broadcast %get3A_86 : f32 to vector<8x128xf32>
      %min3A_99 = arith.minimumf %get3A_10, %min3A_98 : vector<8x128xf32>
      %sub3A_100 = arith.subf %min3A_97, %max3A_93 : vector<8x128xf32>
      %max3A_101 = arith.constant 0.000000e+00 : f32
      %max3A_102 = vector.broadcast %max3A_101 : f32 to vector<8x128xf32>
      %max3A_103 = arith.maximumf %sub3A_100, %max3A_102 : vector<8x128xf32>
      %sub3A_104 = arith.subf %min3A_99, %max3A_95 : vector<8x128xf32>
      %max3A_105 = arith.constant 0.000000e+00 : f32
      %max3A_106 = vector.broadcast %max3A_105 : f32 to vector<8x128xf32>
      %max3A_107 = arith.maximumf %sub3A_104, %max3A_106 : vector<8x128xf32>
      %mul3A_108 = arith.mulf %max3A_103, %max3A_107 : vector<8x128xf32>
      %add3A_109 = vector.broadcast %mul3A_91 : f32 to vector<8x128xf32>
      %add3A_110 = arith.addf %add3A_109, %mul3A : vector<8x128xf32>
      %sub3A_111 = arith.subf %add3A_110, %mul3A_108 : vector<8x128xf32>
      %gt3A_112 = arith.constant 0.000000e+00 : f32
      %gt3A_113 = vector.broadcast %gt3A_112 : f32 to vector<8x128xf32>
      %gt3A_114 = arith.cmpf ogt, %mul3A_108, %gt3A_113 : vector<8x128xf32>
      %max3A_115 = arith.constant 9.99999993E-9 : f32
      %max3A_116 = vector.broadcast %max3A_115 : f32 to vector<8x128xf32>
      %max3A_117 = arith.maximumf %sub3A_111, %max3A_116 : vector<8x128xf32>
      %div3A_118 = arith.divf %mul3A_108, %max3A_117 : vector<8x128xf32>
      %jit3A_119 = arith.constant 0.000000e+00 : f32
      %broadcast_in_dim3A_120 = vector.broadcast %jit3A_119 : f32 to vector<8x128xf32>
      %select_n3A_121 = arith.select %gt3A_114, %div3A_118, %broadcast_in_dim3A_120 : vector<8x128xi1>, vector<8x128xf32>
      %gt3A_122 = arith.cmpf ogt, %select_n3A_121, %select_n3A_74 : vector<8x128xf32>
      %select_n3A_123 = arith.select %gt3A_122, %select_n3A_121, %select_n3A_74 : vector<8x128xi1>, vector<8x128xf32>
      %broadcast_in_dim3A_124 = vector.broadcast %get3A_88 : i32 to vector<8x128xi32>
      %select_n3A_125 = arith.select %gt3A_122, %broadcast_in_dim3A_124, %select_n3A_76 : vector<8x128xi1>, vector<8x128xi32>
      %add3A_126 = arith.constant 2 : i32
      %add3A_127 = arith.addi %mul3A_32, %add3A_126 : i32
      %get3A_128 = arith.index_cast %add3A_127 : i32 to index
      %get3A_129 = memref.load %arg1[%get3A_128] : memref<128xf32, #tpu.memory_space<smem>>
      %get3A_130 = arith.index_cast %add3A_127 : i32 to index
      %get3A_131 = memref.load %arg2[%get3A_130] : memref<128xf32, #tpu.memory_space<smem>>
      %get3A_132 = arith.index_cast %add3A_127 : i32 to index
      %get3A_133 = memref.load %arg3[%get3A_132] : memref<128xf32, #tpu.memory_space<smem>>
      %get3A_134 = arith.index_cast %add3A_127 : i32 to index
      %get3A_135 = memref.load %arg4[%get3A_134] : memref<128xf32, #tpu.memory_space<smem>>
      %get3A_136 = arith.index_cast %add3A_127 : i32 to index
      %get3A_137 = memref.load %arg5[%get3A_136] : memref<128xi32, #tpu.memory_space<smem>>
      %sub3A_138 = arith.subf %get3A_133, %get3A_129 : f32
      %sub3A_139 = arith.subf %get3A_135, %get3A_131 : f32
      %mul3A_140 = arith.mulf %sub3A_138, %sub3A_139 : f32
      %max3A_141 = vector.broadcast %get3A_129 : f32 to vector<8x128xf32>
      %max3A_142 = arith.maximumf %get3A_1, %max3A_141 : vector<8x128xf32>
      %max3A_143 = vector.broadcast %get3A_131 : f32 to vector<8x128xf32>
      %max3A_144 = arith.maximumf %get3A_4, %max3A_143 : vector<8x128xf32>
      %min3A_145 = vector.broadcast %get3A_133 : f32 to vector<8x128xf32>
      %min3A_146 = arith.minimumf %get3A_7, %min3A_145 : vector<8x128xf32>
      %min3A_147 = vector.broadcast %get3A_135 : f32 to vector<8x128xf32>
      %min3A_148 = arith.minimumf %get3A_10, %min3A_147 : vector<8x128xf32>
      %sub3A_149 = arith.subf %min3A_146, %max3A_142 : vector<8x128xf32>
      %max3A_150 = arith.constant 0.000000e+00 : f32
      %max3A_151 = vector.broadcast %max3A_150 : f32 to vector<8x128xf32>
      %max3A_152 = arith.maximumf %sub3A_149, %max3A_151 : vector<8x128xf32>
      %sub3A_153 = arith.subf %min3A_148, %max3A_144 : vector<8x128xf32>
      %max3A_154 = arith.constant 0.000000e+00 : f32
      %max3A_155 = vector.broadcast %max3A_154 : f32 to vector<8x128xf32>
      %max3A_156 = arith.maximumf %sub3A_153, %max3A_155 : vector<8x128xf32>
      %mul3A_157 = arith.mulf %max3A_152, %max3A_156 : vector<8x128xf32>
      %add3A_158 = vector.broadcast %mul3A_140 : f32 to vector<8x128xf32>
      %add3A_159 = arith.addf %add3A_158, %mul3A : vector<8x128xf32>
      %sub3A_160 = arith.subf %add3A_159, %mul3A_157 : vector<8x128xf32>
      %gt3A_161 = arith.constant 0.000000e+00 : f32
      %gt3A_162 = vector.broadcast %gt3A_161 : f32 to vector<8x128xf32>
      %gt3A_163 = arith.cmpf ogt, %mul3A_157, %gt3A_162 : vector<8x128xf32>
      %max3A_164 = arith.constant 9.99999993E-9 : f32
      %max3A_165 = vector.broadcast %max3A_164 : f32 to vector<8x128xf32>
      %max3A_166 = arith.maximumf %sub3A_160, %max3A_165 : vector<8x128xf32>
      %div3A_167 = arith.divf %mul3A_157, %max3A_166 : vector<8x128xf32>
      %jit3A_168 = arith.constant 0.000000e+00 : f32
      %broadcast_in_dim3A_169 = vector.broadcast %jit3A_168 : f32 to vector<8x128xf32>
      %select_n3A_170 = arith.select %gt3A_163, %div3A_167, %broadcast_in_dim3A_169 : vector<8x128xi1>, vector<8x128xf32>
      %gt3A_171 = arith.cmpf ogt, %select_n3A_170, %select_n3A_123 : vector<8x128xf32>
      %select_n3A_172 = arith.select %gt3A_171, %select_n3A_170, %select_n3A_123 : vector<8x128xi1>, vector<8x128xf32>
      %broadcast_in_dim3A_173 = vector.broadcast %get3A_137 : i32 to vector<8x128xi32>
      %select_n3A_174 = arith.select %gt3A_171, %broadcast_in_dim3A_173, %select_n3A_125 : vector<8x128xi1>, vector<8x128xi32>
      %add3A_175 = arith.constant 3 : i32
      %add3A_176 = arith.addi %mul3A_32, %add3A_175 : i32
      %get3A_177 = arith.index_cast %add3A_176 : i32 to index
      %get3A_178 = memref.load %arg1[%get3A_177] : memref<128xf32, #tpu.memory_space<smem>>
      %get3A_179 = arith.index_cast %add3A_176 : i32 to index
      %get3A_180 = memref.load %arg2[%get3A_179] : memref<128xf32, #tpu.memory_space<smem>>
      %get3A_181 = arith.index_cast %add3A_176 : i32 to index
      %get3A_182 = memref.load %arg3[%get3A_181] : memref<128xf32, #tpu.memory_space<smem>>
      %get3A_183 = arith.index_cast %add3A_176 : i32 to index
      %get3A_184 = memref.load %arg4[%get3A_183] : memref<128xf32, #tpu.memory_space<smem>>
      %get3A_185 = arith.index_cast %add3A_176 : i32 to index
      %get3A_186 = memref.load %arg5[%get3A_185] : memref<128xi32, #tpu.memory_space<smem>>
      %sub3A_187 = arith.subf %get3A_182, %get3A_178 : f32
      %sub3A_188 = arith.subf %get3A_184, %get3A_180 : f32
      %mul3A_189 = arith.mulf %sub3A_187, %sub3A_188 : f32
      %max3A_190 = vector.broadcast %get3A_178 : f32 to vector<8x128xf32>
      %max3A_191 = arith.maximumf %get3A_1, %max3A_190 : vector<8x128xf32>
      %max3A_192 = vector.broadcast %get3A_180 : f32 to vector<8x128xf32>
      %max3A_193 = arith.maximumf %get3A_4, %max3A_192 : vector<8x128xf32>
      %min3A_194 = vector.broadcast %get3A_182 : f32 to vector<8x128xf32>
      %min3A_195 = arith.minimumf %get3A_7, %min3A_194 : vector<8x128xf32>
      %min3A_196 = vector.broadcast %get3A_184 : f32 to vector<8x128xf32>
      %min3A_197 = arith.minimumf %get3A_10, %min3A_196 : vector<8x128xf32>
      %sub3A_198 = arith.subf %min3A_195, %max3A_191 : vector<8x128xf32>
      %max3A_199 = arith.constant 0.000000e+00 : f32
      %max3A_200 = vector.broadcast %max3A_199 : f32 to vector<8x128xf32>
      %max3A_201 = arith.maximumf %sub3A_198, %max3A_200 : vector<8x128xf32>
      %sub3A_202 = arith.subf %min3A_197, %max3A_193 : vector<8x128xf32>
      %max3A_203 = arith.constant 0.000000e+00 : f32
      %max3A_204 = vector.broadcast %max3A_203 : f32 to vector<8x128xf32>
      %max3A_205 = arith.maximumf %sub3A_202, %max3A_204 : vector<8x128xf32>
      %mul3A_206 = arith.mulf %max3A_201, %max3A_205 : vector<8x128xf32>
      %add3A_207 = vector.broadcast %mul3A_189 : f32 to vector<8x128xf32>
      %add3A_208 = arith.addf %add3A_207, %mul3A : vector<8x128xf32>
      %sub3A_209 = arith.subf %add3A_208, %mul3A_206 : vector<8x128xf32>
      %gt3A_210 = arith.constant 0.000000e+00 : f32
      %gt3A_211 = vector.broadcast %gt3A_210 : f32 to vector<8x128xf32>
      %gt3A_212 = arith.cmpf ogt, %mul3A_206, %gt3A_211 : vector<8x128xf32>
      %max3A_213 = arith.constant 9.99999993E-9 : f32
      %max3A_214 = vector.broadcast %max3A_213 : f32 to vector<8x128xf32>
      %max3A_215 = arith.maximumf %sub3A_209, %max3A_214 : vector<8x128xf32>
      %div3A_216 = arith.divf %mul3A_206, %max3A_215 : vector<8x128xf32>
      %jit3A_217 = arith.constant 0.000000e+00 : f32
      %broadcast_in_dim3A_218 = vector.broadcast %jit3A_217 : f32 to vector<8x128xf32>
      %select_n3A_219 = arith.select %gt3A_212, %div3A_216, %broadcast_in_dim3A_218 : vector<8x128xi1>, vector<8x128xf32>
      %gt3A_220 = arith.cmpf ogt, %select_n3A_219, %select_n3A_172 : vector<8x128xf32>
      %select_n3A_221 = arith.select %gt3A_220, %select_n3A_219, %select_n3A_172 : vector<8x128xi1>, vector<8x128xf32>
      %broadcast_in_dim3A_222 = vector.broadcast %get3A_186 : i32 to vector<8x128xi32>
      %select_n3A_223 = arith.select %gt3A_220, %broadcast_in_dim3A_222, %select_n3A_174 : vector<8x128xi1>, vector<8x128xi32>
      scf.yield %select_n3A_221, %select_n3A_223 : vector<8x128xf32>, vector<8x128xi32>
    }
    %scan3A_19 = arith.constant 25 : i32
    %swap3A = arith.constant 0 : index
    %swap3A_20 = arith.constant 0 : index
    %swap3A_21 = vector.load %arg10[%swap3A, %swap3A_20] : memref<8x128xf32, #tpu.memory_space<vmem>>, vector<8x128xf32>
    tpu.vector_store %arg10[%swap3A, %swap3A_20], %scan3A_18#0 {strides = array<i32>} : memref<8x128xf32, #tpu.memory_space<vmem>>, vector<8x128xf32>,
    %ge3A = arith.constant 5.000000e-01 : f32
    %ge3A_22 = vector.broadcast %ge3A : f32 to vector<8x128xf32>
    %ge3A_23 = arith.cmpf oge, %scan3A_18#0, %ge3A_22 : vector<8x128xf32>
    %jit3A = arith.constant 80 : i32
    %broadcast_in_dim3A_24 = vector.broadcast %jit3A : i32 to vector<8x128xi32>
    %select_n3A = arith.select %ge3A_23, %scan3A_18#1, %broadcast_in_dim3A_24 : vector<8x128xi1>, vector<8x128xi32>
    %swap3A_25 = arith.constant 0 : index
    %swap3A_26 = arith.constant 0 : index
    %swap3A_27 = vector.load %arg11[%swap3A_25, %swap3A_26] : memref<8x128xi32, #tpu.memory_space<vmem>>, vector<8x128xi32>
    tpu.vector_store %arg11[%swap3A_25, %swap3A_26], %select_n3A {strides = array<i32>} : memref<8x128xi32, #tpu.memory_space<vmem>>, vector<8x128xi32>,
    return
  }
  func.func @transform_0(%arg0: i32) -> i32 {
    %c0_i32 = arith.constant 0 : i32
    %c0_i32_0 = arith.constant 0 : i32
    return %c0_i32 : i32
  }
  func.func @transform_1(%arg0: i32) -> i32 {
    %c0_i32 = arith.constant 0 : i32
    %c0_i32_0 = arith.constant 0 : i32
    return %c0_i32 : i32
  }
  func.func @transform_2(%arg0: i32) -> i32 {
    %c0_i32 = arith.constant 0 : i32
    %c0_i32_0 = arith.constant 0 : i32
    return %c0_i32 : i32
  }
  func.func @transform_3(%arg0: i32) -> i32 {
    %c0_i32 = arith.constant 0 : i32
    %c0_i32_0 = arith.constant 0 : i32
    return %c0_i32 : i32
  }
  func.func @transform_4(%arg0: i32) -> i32 {
    %c0_i32 = arith.constant 0 : i32
    %c0_i32_0 = arith.constant 0 : i32
    return %c0_i32 : i32
  }
  func.func @transform_5(%arg0: i32) -> (i32, i32) {
    %c0_i32 = arith.constant 0 : i32
    %c0_i32_0 = arith.constant 0 : i32
    return %arg0, %c0_i32 : i32, i32
  }
  func.func @transform_6(%arg0: i32) -> (i32, i32) {
    %c0_i32 = arith.constant 0 : i32
    %c0_i32_0 = arith.constant 0 : i32
    return %arg0, %c0_i32 : i32, i32
  }
  func.func @transform_7(%arg0: i32) -> (i32, i32) {
    %c0_i32 = arith.constant 0 : i32
    %c0_i32_0 = arith.constant 0 : i32
    return %arg0, %c0_i32 : i32, i32
  }
  func.func @transform_8(%arg0: i32) -> (i32, i32) {
    %c0_i32 = arith.constant 0 : i32
    %c0_i32_0 = arith.constant 0 : i32
    return %arg0, %c0_i32 : i32, i32
  }
  func.func @transform_9(%arg0: i32) -> (i32, i32) {
    %c0_i32 = arith.constant 0 : i32
    %c0_i32_0 = arith.constant 0 : i32
    return %arg0, %c0_i32 : i32, i32
  }
  func.func @transform_10(%arg0: i32) -> (i32, i32) {
    %c0_i32 = arith.constant 0 : i32
    %c0_i32_0 = arith.constant 0 : i32
    return %arg0, %c0_i32 : i32, i32
  }
}

</mosaic_0001>

<sc_bundles>
// kernel: kernel.5.cloned.1.call-start
scs
__scs_entry_jumppad:
0x0: {  	(pc) =	sbr.rel $0x88, $3  }
0x1: {  	(tag) =	ssettag $0x0;
	lr =	simm.s32 $0x1  }
0x2: {  	[smem:$0x3F9E] =	sst lr;
	_ =	strace $0xD0000000  }
0x3: {  	_ = 	snop  }
0x4: {  	_ = 	snop  }
0x5: {  	_ = 	snop  }
0x6: {  	_ = 	snop  }
0x7: {  	_ = 	snop  }
__scs_overlays_trampoline_lowered:
0x8: {  	[smem:$0x3FAD] =	sst s0  }
0x9: {  	[smem:$0x3FAE] =	sst s1  }
0xa: {  	[smem:$0x3FAF] =	sst s2  }
0xb: {  	[smem:$0x3FB0] =	sst s3  }
0xc: {  	[smem:$0x3FB1] =	sst s4  }
0xd: {  	[smem:$0x3FB2] =	sst s5  }
0xe: {  	[smem:$0x3FB3] =	sst s6  }
0xf: {  	[smem:$0x3FB4] =	sst s7  }
0x10: {  	[smem:$0x3FB5] =	sst s8  }
0x11: {  	[smem:$0x3FB6] =	sst s9;
	s0 =	simm.s32 @!p0 $0x0  }
0x12: {  	s1 =	sld [smem:$0x3F9C];
	s0 =	simm.s32 @p0 $0x1  }
0x13: {  	[smem:$0x3FB7] =	sst s0;
	s0 =	simm.s32 @!p1 $0x0  }
0x14: {  	s2 =	sld [smem:$0x3F9B];
	s0 =	simm.s32 @p1 $0x1  }
0x15: {  	[smem:$0x3FB8] =	sst s0;
	s0 =	simm.s32 @!p2 $0x0  }
0x16: {  	s3 =	sld [smem:$0x3FDB];
	s0 =	simm.s32 @p2 $0x1  }
0x17: {  	s4 =	simm.s32 $0x1BF5;
	[smem:$0x3FBA] =	sst s0  }
0x18: {  	s0 =	sld [smem:$0x3F9D];
	_ =	swait.ge [sflag:s4], $0x0  }
0x19: {  	s7 =	sld [smem:$0x3F9E]  }
0x1a: {  	s8 =	sadd.s32 $0xFFFFE003, lr  }
0x1b: {  	s9 =	sadd.s32 $0xFFFFFEF7, lr;
	s5 =	simm.s32 $0xFFFFFFFF;
	p2 =	slt.u32 s8, $0xFFFFF086  }
0x1c: {  	p1 =	slt.u32 s9, $0xF7A;
	s5 =	simm.s32 @!p2 $0x0  }
0x1d: {  	s5 =	simm.s32 @p1 $0x1;
	p0 =	seq.s32 s7, s2  }
0x1e: {  	s7 =	smul.u32 @!p0 $0xF7A, s2;
	p2 =	seq.s32 @!p0 s5, $0x0  }
0x1f: {  	s9 =	smul.u32 $0xF7A, s1;
	s8 =	simm.s32 @!p0 $0x1BF5;
	p2 =	por !p2, p0  }
0x20: {  	[sflag:s8] =	ssyncset.s32 @!p0 $0xFFFFF086;
	s6 =	sadd.s32 @!p0 s3, s7;
	s7 =	simm.s32 @!p0 $0x108  }
0x21: {  	s3 =	sadd.s32 s3, s9;
	s6 =	sadd.s32 @!p0 $0x88, s6;
	s7 =	simm.s32 @p2 $0x1082  }
0x22: {  	[simem:s7], [sflag:s8] =	dma.local @!p0 [hbm:s6], $0xF7A  }
0x23: {  	s9 =	sor.u32 $0xD0000000, s2;
	s6 =	simm.s32 $0x108;
	_ =	swait.ge @!p0 [sflag:s8], $0x0  }
0x24: {  	s3 =	sadd.s32 $0x88, s3;
	s6 =	simm.s32 @!p1 $0x1082;
	[sflag:s4] =	ssyncset.s32 $0xFFFFF086  }
0x25: {  	[simem:s6], [sflag:s4] =	dma.local [hbm:s3], $0xF7A  }
0x26: {  	[smem:$0x3F9E] =	sst s1;
	(tag) =	ssettag s2;
	_ =	strace s9  }
0x27: {  	s1 =	sld [smem:$0x3FAE]  }
0x28: {  	s2 =	sld [smem:$0x3FAF]  }
0x29: {  	s4 =	sld [smem:$0x3FB1]  }
0x2a: {  	p0 =	seq.s32 s5, $0x0;
	s5 =	sld [smem:$0x3FB2]  }
0x2b: {  	s6 =	sld [smem:$0x3FB3]  }
0x2c: {  	s7 =	sld [smem:$0x3FB4]  }
0x2d: {  	s3 =	simm.s32 $0x108;
	s8 =	sld [smem:$0x3FB5]  }
0x2e: {  	s3 =	simm.s32 @!p0 $0x1082;
	s9 =	sld [smem:$0x3FB6]  }
0x2f: {  	lr =	sadd.s32 s0, s3;
	s0 =	sld [smem:$0x3FAD]  }
0x30: {  	s3 =	sld [smem:$0x3FB0]  }
0x31: {  	[smem:$0x3FB9] =	sst s10  }
0x32: {  	s10 =	sld [smem:$0x3FB7];
	_ =	sdelay $0x3  }
0x33: {  	p0 =	seq.s32 s10, $0x1;
	s10 =	sld [smem:$0x3FB9];
	_ =	sdelay $0x3  }
0x34: {  	[smem:$0x3FB9] =	sst s10  }
0x35: {  	s10 =	sld [smem:$0x3FB8];
	_ =	sdelay $0x3  }
0x36: {  	p1 =	seq.s32 s10, $0x1;
	s10 =	sld [smem:$0x3FB9];
	_ =	sdelay $0x3  }
0x37: {  	[smem:$0x3FB9] =	sst s10  }
0x38: {  	s10 =	sld [smem:$0x3FBA]  }
0x39: {  	_ = 	snop;
	(pc) =	sbr.ind lr, $3  }
0x3a: {  	_ = 	snop  }
0x3b: {  	_ = 	snop  }
0x3c: {  	p2 =	seq.s32 s10, $0x1;
	s10 =	sld [smem:$0x3FB9]  }
0x3d: {  	_ =	shalt  }
0x3e: {  	_ =	shalt  }
0x3f: {  	_ =	shalt  }
0x40: {  	_ =	shalt  }
0x41: {  	_ =	shalt  }
0x42: {  	_ =	shalt  }
0x43: {  	_ =	shalt  }
0x44: {  	_ =	shalt  }
0x45: {  	_ =	shalt  }
0x46: {  	_ =	shalt  }
0x47: {  	_ =	shalt  }
0x48: {  	_ =	shalt  }
0x49: {  	_ =	shalt  }
0x4a: {  	_ =	shalt  }
0x4b: {  	_ =	shalt  }
0x4c: {  	_ =	shalt  }
0x4d: {  	_ =	shalt  }
0x4e: {  	_ =	shalt  }
0x4f: {  	_ =	shalt  }
0x50: {  	_ =	shalt  }
0x51: {  	_ =	shalt  }
0x52: {  	_ =	shalt  }
0x53: {  	_ =	shalt  }
0x54: {  	_ =	shalt  }
0x55: {  	_ =	shalt  }
0x56: {  	_ =	shalt  }
0x57: {  	_ =	shalt  }
0x58: {  	_ =	shalt  }
0x59: {  	_ =	shalt  }
0x5a: {  	_ =	shalt  }
0x5b: {  	_ =	shalt  }
0x5c: {  	_ =	shalt  }
0x5d: {  	_ =	shalt  }
0x5e: {  	_ =	shalt  }
0x5f: {  	_ =	shalt  }
0x60: {  	_ =	shalt  }
0x61: {  	_ =	shalt  }
0x62: {  	_ =	shalt  }
0x63: {  	_ =	shalt  }
0x64: {  	_ =	shalt  }
0x65: {  	_ =	shalt  }
0x66: {  	_ =	shalt  }
0x67: {  	_ =	shalt  }
0x68: {  	_ =	shalt  }
0x69: {  	_ =	shalt  }
0x6a: {  	_ =	shalt  }
0x6b: {  	_ =	shalt  }
0x6c: {  	_ =	shalt  }
0x6d: {  	_ =	shalt  }
0x6e: {  	_ =	shalt  }
0x6f: {  	_ =	shalt  }
0x70: {  	_ =	shalt  }
0x71: {  	_ =	shalt  }
0x72: {  	_ =	shalt  }
0x73: {  	_ =	shalt  }
0x74: {  	_ =	shalt  }
0x75: {  	_ =	shalt  }
0x76: {  	_ =	shalt  }
0x77: {  	_ =	shalt  }
0x78: {  	_ =	shalt  }
0x79: {  	_ =	shalt  }
0x7a: {  	_ =	shalt  }
0x7b: {  	_ =	shalt  }
0x7c: {  	_ =	shalt  }
0x7d: {  	_ =	shalt  }
0x7e: {  	_ =	shalt  }
0x7f: {  	_ =	shalt  }
0x80: {  	_ =	shalt  }
0x81: {  	_ =	shalt  }
0x82: {  	_ =	shalt  }
0x83: {  	_ =	shalt  }
0x84: {  	_ =	shalt  }
0x85: {  	_ =	shalt  }
0x86: {  	_ =	shalt  }
0x87: {  	_ =	shalt  }
.Lfunc_end0:
.L_simem_size_0:
called_computation_lowered:
.L_overlay_start_0:
0x88: {  	s2 =	sld [smem:$0x3FD9]  }
0x89: {  	s3 =	sld [smem:$0x3FFE];
	_ =	sdelay $0x1  }
0x8a: {  	s1 =	srdreg.scid  }
0x8b: {  	s0 =	sand.u32 $0x1, s1  }
0x8c: {  	s14 =	sshll.u32 s0, $0xA;
	s2 =	sadd.s32 s3, s2  }
0x8d: {  	s2 =	sadd.s32 s2, s14  }
0x8e: {  	[smem:$0x3FC5] =	sst s2  }
0x8f: {  	_ = 	snop  }
0x90: {  	s2 =	sld [smem:$0x3FD0];
	_ =	sdelay $0x2  }
0x91: {  	s15 =	simm.s32 $0xA;
	s4 =	simm.s32 $0x10  }
0x92: {  	[smem:s4], [sflag:s15] =	dma.local [hbm:s2], $0x1  }
0x93: {  	_ =	swait.eq [sflag:s15], $0x1  }
0x94: {  	s16 =	sld [smem:$0x10]  }
0x95: {  	s17 =	sld [smem:$0x11];
	[sflag:s15] =	ssyncset.done $0x0  }
0x96: {  	s5 =	sld [smem:$0x12];
	[sflag:s15] =	ssyncadd.s32 $0xFFFFFFFF  }
0x97: {  	s18 =	sld [smem:$0x13];
	(tm) =	ssettm $0x1  }
0x98: {  	s6 =	sld [smem:$0x3FFB];
	_ =	sdelay $0x3  }
0x99: {  	_ =	strace s6  }
0x9a: {  	s6 =	sld [smem:$0x3FFC];
	_ =	sdelay $0x3  }
0x9b: {  	_ =	strace s6  }
0x9c: {  	s6 =	sld [smem:$0x3FFD];
	_ =	sdelay $0x3  }
0x9d: {  	_ =	strace s6  }
0x9e: {  	_ =	strace $0x8FFFFFFF  }
0x9f: {  	s19 =	sld [smem:$0x3FDB];
	_ =	sdelay $0x1  }
0xa0: {  	s7 =	simm.s32 $_scs_section_size  }
0xa1: {  	s8 =	simm.s32 $_size__tile_overlayer_lowered;
	s9 =	simm.s32 $_tile_overlayer_lowered  }
0xa2: {  	s22 =	simm.s32 $0x1BFF;
	s21 =	sshll.u32 s9, $0x1;
	s6 =	sadd.s32 s7, s19  }
0xa3: {  	s10 =	simm.s32 $0x0;
	s20 =	sshll.u32 s8, $0x1;
	s8 =	sadd.s32 s21, s6  }
0xa4: {  	[timem:s10], [sflag:s22] =	dma.local [hbm:s8], s20  }
0xa5: {  	_ =	swait.ge [sflag:s22], s20  }
0xa6: {  	s7 =	ssub.s32 $0x0, s20;
	[sflag:s22] =	ssyncset.done $0x0  }
0xa7: {  	[sflag:s22] =	ssyncadd.s32 s7;
	_ =	sdelay $0x1  }
0xa8: {  	s23 =	simm.s32 $0x1B8B  }
0xa9: {  	_ =	swait.ge [sflag:s23], $0x1  }
0xaa: {  	[sflag:s23] =	ssyncset.done $0x0  }
0xab: {  	s25 =	simm.s32 $0x1B8E;
	s24 =	sld [smem:$0x3FFE];
	[sflag:s23] =	ssyncadd.s32 $0xFFFFFFFF  }
0xac: {  	s26 =	simm.s32 $execute0_lowered;
	[smem:$0x3FD2] =	sst s25  }
0xad: {  	s8 =	sshll.u32 s26, $0x1;
	_ =	strace $0x80000046;
	[dreg:$0x1] =	wrdreg $0xFFFFFFFF  }
0xae: {  	s28 =	simm.s32 $_size_execute0_lowered;
	s6 =	sadd.s32 s6, s8;
	[dreg:$0x0] =	wrdreg $0x0  }
0xaf: {  	s8 =	sshll.u32 s28, $0x1;
	[dreg:$0x2] =	wrdreg s6  }
0xb0: {  	[dreg:$0x3] =	wrdreg s8  }
0xb1: {  	[dreg:$0x4] =	wrdreg $0xC0  }
0xb2: {  	_ =	task [dreg:s10], $0x5FFFF  }
0xb3: {  	[dreg:$0x1] =	wrdreg $0xFFFFFFFF  }
0xb4: {  	[dreg:$0x0] =	wrdreg $0x60  }
0xb5: {  	[dreg:$0x2] =	wrdreg s24  }
0xb6: {  	[dreg:$0x3] =	wrdreg s16  }
0xb7: {  	[dreg:$0x4] =	wrdreg s5  }
0xb8: {  	[dreg:$0x5] =	wrdreg s17  }
0xb9: {  	[dreg:$0x6] =	wrdreg s18  }
0xba: {  	[dreg:$0x7] =	wrdreg $0x9  }
0xbb: {  	_ =	task.clear_ibuf [dreg:s10], $0x8FFFF;
	_ =	strace $0x90000046  }
0xbc: {  	s29 =	simm.s32 $0x9;
	_ =	strace $0x80000048  }
0xbd: {  	_ =	swait.ge [sflag:s29], $0x1  }
0xbe: {  	[sflag:s29] =	ssyncadd.s32 $0xFFFFFFFF  }
0xbf: {  	_ =	strace $0x90000048  }
0xc0: {  	_ =	sfence  }
0xc1: {  	s30 =	sld [smem:$0x0];
	_ =	sdelay $0x2  }
0xc2: {  	s31 =	sshll.u32 s1, $0xD;
	s1 =	sshrl.u32 s1, $0x2  }
0xc3: {  	s3 =	sand.u32 $0x4000, s31;
	s1 =	sadd.s32 s1, s30  }
0xc4: {  	s0 =	sor.u32 s3, s0;
	s1 =	sshll.u32 s1, $0x11  }
0xc5: {  	s0 =	sor.u32 s1, s0  }
0xc6: {  	s0 =	sadd.s32 $0x8F2B, s0  }
0xc7: {  	[sflag:s0] =	ssyncadd.remote.s32 $0x1  }
0xc8: {  	_ =	sfence.sel $0xFFFF  }
0xc9: {  	[dreg:$0x0] =	wrdreg $0xFFFFFFFF;
	(pc) =	sbr.abs _section_cstart, $3  }
0xca: {  	[dreg:$0x1] =	wrdreg $0xFFFFFFFF  }
0xcb: {  	_ =	task.clear_ibuf [dreg:s10], $0x2FFFF;
	_ =	strace $0x9FFFFFFF  }
0xcc: {  	(tm) =	ssettm $0x7FFFFFFF  }
0xcd: {  	_ =	shalt  }
tec
execute0_lowered:
.L_overlay_start_1:
0x0: {  	(tag) =	ssettag $0x1  }
0x1: {  	s7 =	rddreg [dreg:$0x0]  }
0x2: {  	s1 =	rddreg [dreg:$0x1]  }
0x3: {  	s2 =	rddreg [dreg:$0x2]  }
0x4: {  	s3 =	srdreg.scid;
	s4 =	rddreg [dreg:$0x3]  }
0x5: {  	s0 =	stileid.u32;
	s12 =	rddreg [dreg:$0x4];
	s5 =	simm.s32 $0x0  }
0x6: {  	s16 =	simm.s32 $0x100;
	s17 =	simm.s32 $0x200;
	s18 =	simm.s32 $0x300  }
0x7: {  	s19 =	simm.s32 $0x400;
	s20 =	simm.s32 $0x480;
	s21 =	simm.s32 $0x500  }
0x8: {  	s22 =	simm.s32 $0x580;
	s6 =	sand.u32 $0x1, s3;
	s30 =	sshll.u32 s0, $0x1  }
0x9: {  	s23 =	simm.s32 $0x600;
	s24 =	simm.s32 $0x680;
	s8 =	sor.u32 s6, s30  }
0xa: {  	s25 =	simm.s32 $0x780;
	s3 =	rddreg [dreg:$0x5];
	s8 =	smul.u32 $0xE0, s8  }
0xb: {  	s26 =	simm.s32 $0x0;
	[smem:$0x7FF] =	sst s5;
	s31 =	ssub.s32 $0x2, s6  }
0xc: {  	_ =	strace $0x80000047;
	s9 =	sshrl.u32 s31, $0x1;
	s13 =	sshrl.u32 s8, $0x3  }
0xd: {  	s6 =	sadd.s32 $0x2C00, s7;
	s15 =	ssub.s32 s31, s9;
	s14 =	sadd.s32 s13, s7  }
0xe: {  	s7 =	sadd.s32 $0x5600, s7;
	s12 =	sadd.s32 s12, s13;
	s8 =	sadd.s32 $0x5280, s14  }
0xf: {  	s9 =	sadd.s32 $0x4880, s14;
	s10 =	sadd.s32 $0x3E80, s14;
	s11 =	sadd.s32 $0x3480, s14  }
0x10: {  	s13 =	sadd.s32 $0x5800, s14;
	s14 =	smax.u32 s15, $0x1;
	s15 =	simm.s32 $0x1  }
.LBB2_1:
0x11: {  	[tilespmem:s5], [sflag:$0x1] =	stream.linear.gather [hbm4b:s8+s5], $0xE0, $0x38;
	[tilespmem:$0x880] =	vst v63  }
0x12: {  	_ =	swait.ge [sflag:s15], $0xE0  }
0x13: {  	[sflag:s15] =	ssyncset.done $0x0  }
0x14: {  	[sflag:s15] =	ssyncadd.s32 $0xFFFFFF20  }
0x15: {  	[tilespmem:s16], [sflag:$0x1] =	stream.linear.gather [hbm4b:s9+s5], $0xE0, $0x38;
	[tilespmem:$0x880] =	vst v63  }
0x16: {  	_ =	swait.ge [sflag:s15], $0xE0  }
0x17: {  	[sflag:s15] =	ssyncset.done $0x0  }
0x18: {  	[sflag:s15] =	ssyncadd.s32 $0xFFFFFF20  }
0x19: {  	[tilespmem:s17], [sflag:$0x1] =	stream.linear.gather [hbm4b:s10+s5], $0xE0, $0x38;
	[tilespmem:$0x880] =	vst v63  }
0x1a: {  	_ =	swait.ge [sflag:s15], $0xE0  }
0x1b: {  	[sflag:s15] =	ssyncset.done $0x0  }
0x1c: {  	[sflag:s15] =	ssyncadd.s32 $0xFFFFFF20  }
0x1d: {  	[tilespmem:s18], [sflag:$0x1] =	stream.linear.gather [hbm4b:s11+s5], $0xE0, $0x38;
	[tilespmem:$0x880] =	vst v63  }
0x1e: {  	_ =	swait.ge [sflag:s15], $0xE0  }
0x1f: {  	[sflag:s15] =	ssyncset.done $0x0  }
0x20: {  	[sflag:s15] =	ssyncadd.s32 $0xFFFFFF20  }
0x21: {  	[tilespmem:s19], [sflag:$0x1] =	stream.linear.gather [hbm4b:s6+s5], $0x80, $0x38;
	[tilespmem:$0x880] =	vst v63  }
0x22: {  	_ =	swait.ge [sflag:s15], $0x80  }
0x23: {  	[sflag:s15] =	ssyncset.done $0x0  }
0x24: {  	[sflag:s15] =	ssyncadd.s32 $0xFFFFFF80  }
0x25: {  	[tilespmem:s20], [sflag:$0x1] =	stream.linear.gather [hbm4b:s1+s5], $0x80, $0x38;
	[tilespmem:$0x880] =	vst v63  }
0x26: {  	_ =	swait.ge [sflag:s15], $0x80  }
0x27: {  	[sflag:s15] =	ssyncset.done $0x0  }
0x28: {  	[sflag:s15] =	ssyncadd.s32 $0xFFFFFF80  }
0x29: {  	[tilespmem:s21], [sflag:$0x1] =	stream.linear.gather [hbm4b:s2+s5], $0x80, $0x38;
	[tilespmem:$0x880] =	vst v63  }
0x2a: {  	_ =	swait.ge [sflag:s15], $0x80  }
0x2b: {  	[sflag:s15] =	ssyncset.done $0x0  }
0x2c: {  	[sflag:s15] =	ssyncadd.s32 $0xFFFFFF80  }
0x2d: {  	[tilespmem:s22], [sflag:$0x1] =	stream.linear.gather [hbm4b:s4+s5], $0x80, $0x38;
	[tilespmem:$0x880] =	vst v63  }
0x2e: {  	_ =	swait.ge [sflag:s15], $0x80  }
0x2f: {  	[sflag:s15] =	ssyncset.done $0x0  }
0x30: {  	[sflag:s15] =	ssyncadd.s32 $0xFFFFFF80  }
0x31: {  	[tilespmem:s23], [sflag:$0x1] =	stream.linear.gather [hbm4b:s7+s5], $0x80, $0x38;
	[tilespmem:$0x880] =	vst v63  }
0x32: {  	_ =	swait.ge [sflag:s15], $0x80  }
0x33: {  	[sflag:s15] =	ssyncset.done $0x0  }
0x34: {  	s28 =	simm.s32 $0x0;
	[sflag:s15] =	ssyncadd.s32 $0xFFFFFF80  }
.LBB2_2:
0x35: {  	s29 =	sshll.u32 s28, $0x5  }
0x36: {  	v0 =	vld [tilespmem:s29+$0x0]  }
0x37: {  	v1 =	vld [tilespmem:s29+$0x100]  }
0x38: {  	s30 =	simm.s32 $0x0;
	v2 =	vld [tilespmem:s29+$0x200]  }
0x39: {  	v4 =	vld [tilespmem:s29+$0x300];
	v7 =	vmov s30  }
0x3a: {  	v8 =	vld [tilespmem:s29+$0x10]  }
0x3b: {  	v5 =	vld [tilespmem:s29+$0x110]  }
0x3c: {  	v6 =	vld [tilespmem:s29+$0x210]  }
0x3d: {  	v3 =	vld [tilespmem:s29+$0x310]  }
0x3e: {  	v9 =	vld.idx.msk [tilespmem:v7+s19+$0x0], $0xffff  }
0x3f: {  	v10 =	vld.idx.msk [tilespmem:v7+s21+$0x0], $0xffff  }
0x40: {  	v12 =	vld.idx.msk [tilespmem:v7+s20+$0x0], $0xffff  }
0x41: {  	v13 =	vld.idx.msk [tilespmem:v7+s22+$0x0], $0xffff;
	_ =	sdelay $0x1  }
0x42: {  	s30 =	simm.s32 $0x1;
	v11 =	vsub.f32 v2, v0;
	v14 =	vsub.f32 v4, v1  }
0x43: {  	v17 =	vmov s30;
	v15 =	vsub.f32 v6, v8  }
0x44: {  	v16 =	vsub.f32 v3, v5;
	v11 =	vmul.f32 v14, v11;
	v18 =	vsub.f32 v10, v9  }
0x45: {  	v19 =	vsub.f32 v13, v12;
	v20 =	vmax.f32 v9, v0;
	v21 =	vmax.f32 v12, v1  }
0x46: {  	v22 =	vmin.f32 v10, v2;
	v23 =	vmin.f32 v13, v4;
	v9 =	vmax.f32 v9, v8  }
0x47: {  	v10 =	vmin.f32 v10, v6;
	v14 =	vsub.f32 v22, v20;
	v20 =	vsub.f32 v23, v21  }
0x48: {  	v13 =	vmin.f32 v13, v3;
	v22 =	vmax.f32 v12, v5;
	v18 =	vmul.f32 v19, v18  }
0x49: {  	v23 =	vld.idx.msk [tilespmem:v17+s21+$0x0], $0xffff;
	v24 =	vsub.f32 v10, v9;
	v12 =	vmax.f32 v14, $0.0e+00;
	v14 =	vmax.f32 v20, $0.0e+00  }
0x4a: {  	v21 =	vld.idx.msk [tilespmem:v17+s19+$0x0], $0xffff;
	v13 =	vsub.f32 v13, v22;
	v12 =	vmul.f32 v14, v12;
	v19 =	vadd.f32 v18, v11  }
0x4b: {  	v14 =	vmul.f32 v16, v15  }
0x4c: {  	v15 =	vmax.f32 v24, $0.0e+00;
	v13 =	vmax.f32 v13, $0.0e+00;
	v16 =	vsub.f32 v19, v12  }
0x4d: {  	v22 =	vld.idx.msk [tilespmem:v17+s22+$0x0], $0xffff;
	v15 =	vmul.f32 v13, v15;
	v13 =	vadd.f32 v18, v14  }
0x4e: {  	v20 =	vld.idx.msk [tilespmem:v17+s20+$0x0], $0xffff;
	v26 =	vmin.f32 v23, v2;
	v16 =	vmax.f32 v16, $9.999999930e-09  }
0x4f: {  	s30 =	simm.s32 $0x2;
	v13 =	vsub.f32 v13, v15;
	(erf) = vrcp.f32 v16;
	v16 =	vmax.f32 v21, v0  }
0x50: {  	v19 =	vmov s30;
	v26 =	vsub.f32 v26, v16;
	v16 =	vld.idx.msk [tilespmem:v7+s23+$0x0], $0xffff  }
0x51: {  	v18 =	vsub.f32 v23, v21;
	v7 =	vld.idx.msk [tilespmem:v17+s23+$0x0], $0xffff;
	v17 =	vmax.f32 v13, $9.999999930e-09  }
0x52: {  	v23 =	vmin.f32 v23, v6;
	v27 =	vmin.f32 v22, v4;
	(erf) = vrcp.f32 v17  }
0x53: {  	v24 =	vsub.f32 v22, v20;
	v25 =	vmax.f32 v20, v1;
	v20 =	vmax.f32 v20, v5  }
0x54: {  	v22 =	vmin.f32 v22, v3;
	v21 =	vmax.f32 v21, v8;
	v25 =	vsub.f32 v27, v25  }
0x55: {  	v20 =	vsub.f32 v22, v20;
	v23 =	vsub.f32 v23, v21;
	v21 =	vld.idx.msk [tilespmem:v19+s19+$0x0], $0xffff  }
0x56: {  	v9 =	vimm.f32 $-1.000000000e+00;
	v22 =	vld.idx.msk [tilespmem:v19+s21+$0x0], $0xffff  }
0x57: {  	v17 =	vmul.f32 v24, v18;
	v24 =	vmax.f32 v25, $0.0e+00;
	v25 =	vmax.f32 v20, $0.0e+00  }
0x58: {  	v10 =	vimm.s32 $0x0;
	v13 =	vld.idx.msk [tilespmem:v19+s23+$0x0], $0xffff;
	v18 =	vmax.f32 v26, $0.0e+00;
	v23 =	vmax.f32 v23, $0.0e+00  }
0x59: {  	v20 =	vmul.f32 v24, v18;
	v26 =	vadd.f32 v17, v11;
	v23 =	vmul.f32 v25, v23  }
0x5a: {  	s31 =	simm.s32 $0x3;
	s30 =	sor.u32 $0x10, s29;
	v24 =	vld.idx.msk [tilespmem:v19+s20+$0x0], $0xffff;
	v27 =	vadd.f32 v17, v14;
	v18 =	vimm.f32 $-1.000000000e+00;
	v17 =	vimm.s32 $0x0;
	v25 =	vpop (erf)  }
.LBB2_3:
0x5b: {  	p0 =	sne.s32 s31, $0x63;
	v28 =	vld.idx.msk [tilespmem:v19+s22+$0x0], $0xffff;
	v19 =	vmov s31;
	v29 =	vsub.f32 v22, v21;
	v26 =	vsub.f32 v26, v20;
	v30 =	vpop (erf)  }
0x5c: {  	v25 =	vmul.f32 v25, v12;
	v31 =	vmovc v16;
	v27 =	vsub.f32 v27, v23;
	v30 =	vmul.f32 v30, v15  }
0x5d: {  	vm0 =	vgt.f32 v12, $0.0e+00;
	vm1 =	vgt.f32 v15, $0.0e+00;
	v16 =	vmovc v7;
	v7 =	vmovc v13;
	v26 =	vmax.f32 v26, $9.999999930e-09  }
0x5e: {  	v12 =	vmovc v20;
	v15 =	vmovc v23;
	v25 =	vnsel vm0, $0x0, v25;
	v27 =	vmax.f32 v27, $9.999999930e-09;
	v30 =	vnsel vm1, $0x0, v30  }
0x5f: {  	vm1 =	vgt.f32 v25, v9;
	(erf) = vrcp.f32 v26;
	vm0 =	vgt.f32 v30, v18  }
0x60: {  	v9 =	vsel vm1, v25, v9;
	v13 =	vld.idx.msk [tilespmem:v19+s23+$0x0], $0xffff;
	(erf) = vrcp.f32 v27;
	v18 =	vsel vm0, v30, v18  }
0x61: {  	v23 =	vmax.f32 v21, v0;
	v25 =	vmax.f32 v24, v1;
	v20 =	vsub.f32 v28, v24  }
0x62: {  	v26 =	vmin.f32 v22, v2;
	v27 =	vmin.f32 v28, v4;
	v30 =	vmax.f32 v21, v8;
	v21 =	vld.idx.msk [tilespmem:v19+s19+$0x0], $0xffff  }
0x63: {  	v23 =	vsub.f32 v26, v23;
	v24 =	vmax.f32 v24, v5;
	v26 =	vmin.f32 v22, v6;
	v22 =	vld.idx.msk [tilespmem:v19+s21+$0x0], $0xffff  }
.Ltmp0:
0x64: {  	v25 =	vsub.f32 v27, v25;
	v27 =	vmin.f32 v28, v3;
	v26 =	vsub.f32 v26, v30;
	(pc) =	sbr.rel @p0 .LBB2_3-.Ltmp0, $4  }
0x65: {  	v10 =	vsel vm1, v31, v10;
	v28 =	vmul.f32 v20, v29;
	v24 =	vsub.f32 v27, v24  }
0x66: {  	v20 =	vmax.f32 v23, $0.0e+00;
	v23 =	vmax.f32 v25, $0.0e+00;
	v29 =	vmax.f32 v26, $0.0e+00  }
0x67: {  	v20 =	vmul.f32 v23, v20;
	v26 =	vadd.f32 v28, v11;
	v23 =	vmax.f32 v24, $0.0e+00  }
0x68: {  	s31 =	sadd.s32 $0x1, s31;
	v17 =	vsel vm0, v31, v17;
	v27 =	vadd.f32 v28, v14;
	v23 =	vmul.f32 v23, v29;
	v24 =	vld.idx.msk [tilespmem:v19+s20+$0x0], $0xffff;
	v25 =	vpop (erf)  }
0x69: {  	_ =	sdelay $0x3  }
0x6a: {  	v19 =	vld.idx.msk [tilespmem:v19+s22+$0x0], $0xffff;
	_ =	sdelay $0x1  }
0x6b: {  	v26 =	vsub.f32 v26, v20  }
0x6c: {  	v28 =	vsub.f32 v22, v21;
	v0 =	vmax.f32 v21, v0;
	v2 =	vmin.f32 v22, v2  }
0x6d: {  	v8 =	vmax.f32 v21, v8;
	v39 =	vmin.f32 v22, v6;
	v0 =	vsub.f32 v2, v0  }
0x6e: {  	v1 =	vmax.f32 v24, v1;
	v29 =	vsub.f32 v19, v24;
	v4 =	vmin.f32 v19, v4  }
0x6f: {  	v40 =	vsub.f32 v39, v8;
	v1 =	vsub.f32 v4, v1  }
0x70: {  	v38 =	vmax.f32 v24, v5;
	v3 =	vmin.f32 v19, v3;
	v41 =	vmul.f32 v29, v28  }
0x71: {  	v0 =	vmax.f32 v0, $0.0e+00;
	v2 =	vsub.f32 v3, v38;
	v1 =	vmax.f32 v1, $0.0e+00  }
0x72: {  	v27 =	vsub.f32 v27, v23;
	v0 =	vmul.f32 v1, v0;
	v43 =	vadd.f32 v41, v11  }
0x73: {  	v26 =	vmax.f32 v26, $9.999999930e-09;
	v4 =	vmax.f32 v40, $0.0e+00;
	v2 =	vmax.f32 v2, $0.0e+00  }
0x74: {  	v2 =	vmul.f32 v2, v4;
	v44 =	vadd.f32 v41, v14;
	v1 =	vsub.f32 v43, v0  }
0x75: {  	v42 =	vmax.f32 v27, $9.999999930e-09;
	(erf) = vrcp.f32 v26  }
0x76: {  	(erf) = vrcp.f32 v42;
	v45 =	vsub.f32 v44, v2;
	v1 =	vmax.f32 v1, $9.999999930e-09  }
0x77: {  	(erf) = vrcp.f32 v1  }
0x78: {  	v46 =	vmax.f32 v45, $9.999999930e-09  }
0x79: {  	v47 =	vpop (erf);
	(erf) = vrcp.f32 v46  }
0x7a: {  	v3 =	vmul.f32 v47, v15  }
0x7b: {  	vm1 =	vgt.f32 v15, $0.0e+00  }
0x7c: {  	v48 =	vmul.f32 v25, v12;
	v3 =	vnsel vm1, $0x0, v3  }
0x7d: {  	vm0 =	vgt.f32 v12, $0.0e+00;
	vm11 =	vgt.f32 v20, $0.0e+00;
	vm1 =	vgt.f32 v3, v18  }
0x7e: {  	vm12 =	vgt.f32 v23, $0.0e+00;
	v3 =	vsel vm1, v3, v18;
	v52 =	vsel vm1, v16, v17;
	v49 =	vpop (erf)  }
0x7f: {  	vm2 =	vgt.f32 v0, $0.0e+00;
	v50 =	vpop (erf);
	v4 =	vmul.f32 v49, v20;
	v1 =	vnsel vm0, $0x0, v48  }
0x80: {  	vm13 =	vgt.f32 v2, $0.0e+00;
	v5 =	vmul.f32 v50, v23;
	vm0 =	vgt.f32 v1, v9;
	v53 =	vpop (erf)  }
0x81: {  	v4 =	vnsel vm11, $0x0, v4;
	v1 =	vsel vm0, v1, v9;
	v9 =	vmul.f32 v53, v0  }
0x82: {  	v51 =	vsel vm0, v16, v10;
	v5 =	vnsel vm12, $0x0, v5;
	vm0 =	vgt.f32 v4, v1;
	v54 =	vpop (erf)  }
0x83: {  	v55 =	vsel vm0, v4, v1;
	v56 =	vmul.f32 v54, v2;
	v57 =	vnsel vm2, $0x0, v9  }
0x84: {  	s28 =	sadd.s32 $0x1, s28;
	vm1 =	vgt.f32 v5, v3;
	v6 =	vsel vm0, v7, v51;
	vm2 =	vgt.f32 v57, v55  }
0x85: {  	p0 =	sne.s32 s28, $0x7;
	v58 =	vsel vm1, v5, v3;
	v1 =	vnsel vm13, $0x0, v56;
	v0 =	vsel vm2, v57, v55  }
.Ltmp1:
0x86: {  	vm0 =	vgt.f32 v1, v58;
	v59 =	vsel vm2, v13, v6;
	vm14 =	vge.f32 v0, $5.000000000e-01;
	(pc) =	sbr.rel @p0 .LBB2_2-.Ltmp1, $4  }
0x87: {  	v60 =	vsel vm1, v7, v52;
	v1 =	vsel vm0, v1, v58;
	[tilespmem:s29+$0x680] =	vst v0;
	v61 =	vnsel vm14, $0x50, v59  }
0x88: {  	v62 =	vsel vm0, v13, v60;
	vm15 =	vge.f32 v1, $5.000000000e-01;
	[tilespmem:s29+$0x780] =	vst v61  }
0x89: {  	v63 =	vnsel vm15, $0x50, v62;
	[tilespmem:s30+$0x680] =	vst v1  }
0x8a: {  	[tilespmem:s30+$0x780] =	vst v63  }
0x8b: {  	[hbm4b:s12+s5] =	stream.linear.scatter [tilespmem:s24], [sflag:$0x1], $0xE0, $0x38;
	[tilespmem:$0x880] =	vst v63  }
0x8c: {  	s26 =	sadd.s32 $0x1, s26;
	_ =	swait.ge [sflag:s15], $0xE0  }
0x8d: {  	p0 =	sne.s32 s26, s14;
	[sflag:s15] =	ssyncset.done $0x0  }
.Ltmp2:
0x8e: {  	[sflag:s15] =	ssyncadd.s32 $0xFFFFFF20;
	(pc) =	sbr.rel @p0 .LBB2_1-.Ltmp2, $4  }
0x8f: {  	[hbm4b:s13+s5] =	stream.linear.scatter [tilespmem:s25], [sflag:$0x1], $0xE0, $0x38;
	[tilespmem:$0x880] =	vst v63  }
0x90: {  	_ =	swait.ge [sflag:s15], $0xE0  }
0x91: {  	[sflag:s15] =	ssyncset.done $0x0  }
0x92: {  	[sflag:s15] =	ssyncadd.s32 $0xFFFFFF20  }
0x93: {  	_ =	sfence.sel $0x180000  }
0x94: {  	[bflag:$0x0] =	sbarrier.arrive $0xFFFF  }
0x95: {  	p0 =	sne.s32 s0, $0x0;
	_ =	strace $0x90000047  }
0x96: {  	s0 =	sadd.s32 @!p0 $0x100000, s3;
	[bflag:$0x2] =	sbarrier.arrive $0xFFFF  }
0x97: {  	[sflag:s0] =	ssyncadd.tile.s32 @!p0 $0x1;
	_ =	shalt  }
.Lfunc_end2:
_tile_overlayer_lowered:
.L_overlay_start_2:
0x98: {  	(tag) =	ssettag $0x2  }
0x99: {  	s0 =	rddreg [dreg:$0x0];
	s2 =	stileid.u32  }
0x9a: {  	s1 =	rddreg [dreg:$0x1];
	p0 =	sne.s32 s2, $0x0  }
0x9b: {  	s3 =	rddreg [dreg:$0x2];
	[bflag:$0x3] =	sbarrier.arrive $0xFFFF;
	s2 =	simm.s32 @!p0 $0x1C01  }
0x9c: {  	[timem:s3], [sflag:s2] =	dma.local @!p0 [hbm:s0], s1  }
0x9d: {  	s0 =	simm.s32 @!p0 $0x1  }
0x9e: {  	_ =	swait.ge @!p0 [sflag:s0], s1  }
0x9f: {  	s1 =	ssub.s32 @!p0 $0x0, s1;
	[sflag:s0] =	ssyncset.done @!p0 $0x0  }
0xa0: {  	[sflag:s0] =	ssyncadd.s32 @!p0 s1  }
0xa1: {  	[bflag:$0x3] =	sbarrier.arrive $0xFFFF  }
0xa2: {  	_ =	shalt  }

// kernel: kernel.8.cloned.1.call-start
scs
__scs_entry_jumppad:
0x0: {  	(pc) =	sbr.rel $0x88, $3  }
0x1: {  	(tag) =	ssettag $0x0;
	lr =	simm.s32 $0x1  }
0x2: {  	[smem:$0x3F9E] =	sst lr;
	_ =	strace $0xD0000000  }
0x3: {  	_ = 	snop  }
0x4: {  	_ = 	snop  }
0x5: {  	_ = 	snop  }
0x6: {  	_ = 	snop  }
0x7: {  	_ = 	snop  }
__scs_overlays_trampoline_lowered:
0x8: {  	[smem:$0x3FAD] =	sst s0  }
0x9: {  	[smem:$0x3FAE] =	sst s1  }
0xa: {  	[smem:$0x3FAF] =	sst s2  }
0xb: {  	[smem:$0x3FB0] =	sst s3  }
0xc: {  	[smem:$0x3FB1] =	sst s4  }
0xd: {  	[smem:$0x3FB2] =	sst s5  }
0xe: {  	[smem:$0x3FB3] =	sst s6  }
0xf: {  	[smem:$0x3FB4] =	sst s7  }
0x10: {  	[smem:$0x3FB5] =	sst s8  }
0x11: {  	[smem:$0x3FB6] =	sst s9;
	s0 =	simm.s32 @!p0 $0x0  }
0x12: {  	s1 =	sld [smem:$0x3F9C];
	s0 =	simm.s32 @p0 $0x1  }
0x13: {  	[smem:$0x3FB7] =	sst s0;
	s0 =	simm.s32 @!p1 $0x0  }
0x14: {  	s2 =	sld [smem:$0x3F9B];
	s0 =	simm.s32 @p1 $0x1  }
0x15: {  	[smem:$0x3FB8] =	sst s0;
	s0 =	simm.s32 @!p2 $0x0  }
0x16: {  	s3 =	sld [smem:$0x3FDB];
	s0 =	simm.s32 @p2 $0x1  }
0x17: {  	s4 =	simm.s32 $0x1BF5;
	[smem:$0x3FBA] =	sst s0  }
0x18: {  	s0 =	sld [smem:$0x3F9D];
	_ =	swait.ge [sflag:s4], $0x0  }
0x19: {  	s7 =	sld [smem:$0x3F9E]  }
0x1a: {  	s8 =	sadd.s32 $0xFFFFE003, lr  }
0x1b: {  	s9 =	sadd.s32 $0xFFFFFEF7, lr;
	s5 =	simm.s32 $0xFFFFFFFF;
	p2 =	slt.u32 s8, $0xFFFFF086  }
0x1c: {  	p1 =	slt.u32 s9, $0xF7A;
	s5 =	simm.s32 @!p2 $0x0  }
0x1d: {  	s5 =	simm.s32 @p1 $0x1;
	p0 =	seq.s32 s7, s2  }
0x1e: {  	s7 =	smul.u32 @!p0 $0xF7A, s2;
	p2 =	seq.s32 @!p0 s5, $0x0  }
0x1f: {  	s9 =	smul.u32 $0xF7A, s1;
	s8 =	simm.s32 @!p0 $0x1BF5;
	p2 =	por !p2, p0  }
0x20: {  	[sflag:s8] =	ssyncset.s32 @!p0 $0xFFFFF086;
	s6 =	sadd.s32 @!p0 s3, s7;
	s7 =	simm.s32 @!p0 $0x108  }
0x21: {  	s3 =	sadd.s32 s3, s9;
	s6 =	sadd.s32 @!p0 $0x88, s6;
	s7 =	simm.s32 @p2 $0x1082  }
0x22: {  	[simem:s7], [sflag:s8] =	dma.local @!p0 [hbm:s6], $0xF7A  }
0x23: {  	s9 =	sor.u32 $0xD0000000, s2;
	s6 =	simm.s32 $0x108;
	_ =	swait.ge @!p0 [sflag:s8], $0x0  }
0x24: {  	s3 =	sadd.s32 $0x88, s3;
	s6 =	simm.s32 @!p1 $0x1082;
	[sflag:s4] =	ssyncset.s32 $0xFFFFF086  }
0x25: {  	[simem:s6], [sflag:s4] =	dma.local [hbm:s3], $0xF7A  }
0x26: {  	[smem:$0x3F9E] =	sst s1;
	(tag) =	ssettag s2;
	_ =	strace s9  }
0x27: {  	s1 =	sld [smem:$0x3FAE]  }
0x28: {  	s2 =	sld [smem:$0x3FAF]  }
0x29: {  	s4 =	sld [smem:$0x3FB1]  }
0x2a: {  	p0 =	seq.s32 s5, $0x0;
	s5 =	sld [smem:$0x3FB2]  }
0x2b: {  	s6 =	sld [smem:$0x3FB3]  }
0x2c: {  	s7 =	sld [smem:$0x3FB4]  }
0x2d: {  	s3 =	simm.s32 $0x108;
	s8 =	sld [smem:$0x3FB5]  }
0x2e: {  	s3 =	simm.s32 @!p0 $0x1082;
	s9 =	sld [smem:$0x3FB6]  }
0x2f: {  	lr =	sadd.s32 s0, s3;
	s0 =	sld [smem:$0x3FAD]  }
0x30: {  	s3 =	sld [smem:$0x3FB0]  }
0x31: {  	[smem:$0x3FB9] =	sst s10  }
0x32: {  	s10 =	sld [smem:$0x3FB7];
	_ =	sdelay $0x3  }
0x33: {  	p0 =	seq.s32 s10, $0x1;
	s10 =	sld [smem:$0x3FB9];
	_ =	sdelay $0x3  }
0x34: {  	[smem:$0x3FB9] =	sst s10  }
0x35: {  	s10 =	sld [smem:$0x3FB8];
	_ =	sdelay $0x3  }
0x36: {  	p1 =	seq.s32 s10, $0x1;
	s10 =	sld [smem:$0x3FB9];
	_ =	sdelay $0x3  }
0x37: {  	[smem:$0x3FB9] =	sst s10  }
0x38: {  	s10 =	sld [smem:$0x3FBA]  }
0x39: {  	_ = 	snop;
	(pc) =	sbr.ind lr, $3  }
0x3a: {  	_ = 	snop  }
0x3b: {  	_ = 	snop  }
0x3c: {  	p2 =	seq.s32 s10, $0x1;
	s10 =	sld [smem:$0x3FB9]  }
0x3d: {  	_ =	shalt  }
0x3e: {  	_ =	shalt  }
0x3f: {  	_ =	shalt  }
0x40: {  	_ =	shalt  }
0x41: {  	_ =	shalt  }
0x42: {  	_ =	shalt  }
0x43: {  	_ =	shalt  }
0x44: {  	_ =	shalt  }
0x45: {  	_ =	shalt  }
0x46: {  	_ =	shalt  }
0x47: {  	_ =	shalt  }
0x48: {  	_ =	shalt  }
0x49: {  	_ =	shalt  }
0x4a: {  	_ =	shalt  }
0x4b: {  	_ =	shalt  }
0x4c: {  	_ =	shalt  }
0x4d: {  	_ =	shalt  }
0x4e: {  	_ =	shalt  }
0x4f: {  	_ =	shalt  }
0x50: {  	_ =	shalt  }
0x51: {  	_ =	shalt  }
0x52: {  	_ =	shalt  }
0x53: {  	_ =	shalt  }
0x54: {  	_ =	shalt  }
0x55: {  	_ =	shalt  }
0x56: {  	_ =	shalt  }
0x57: {  	_ =	shalt  }
0x58: {  	_ =	shalt  }
0x59: {  	_ =	shalt  }
0x5a: {  	_ =	shalt  }
0x5b: {  	_ =	shalt  }
0x5c: {  	_ =	shalt  }
0x5d: {  	_ =	shalt  }
0x5e: {  	_ =	shalt  }
0x5f: {  	_ =	shalt  }
0x60: {  	_ =	shalt  }
0x61: {  	_ =	shalt  }
0x62: {  	_ =	shalt  }
0x63: {  	_ =	shalt  }
0x64: {  	_ =	shalt  }
0x65: {  	_ =	shalt  }
0x66: {  	_ =	shalt  }
0x67: {  	_ =	shalt  }
0x68: {  	_ =	shalt  }
0x69: {  	_ =	shalt  }
0x6a: {  	_ =	shalt  }
0x6b: {  	_ =	shalt  }
0x6c: {  	_ =	shalt  }
0x6d: {  	_ =	shalt  }
0x6e: {  	_ =	shalt  }
0x6f: {  	_ =	shalt  }
0x70: {  	_ =	shalt  }
0x71: {  	_ =	shalt  }
0x72: {  	_ =	shalt  }
0x73: {  	_ =	shalt  }
0x74: {  	_ =	shalt  }
0x75: {  	_ =	shalt  }
0x76: {  	_ =	shalt  }
0x77: {  	_ =	shalt  }
0x78: {  	_ =	shalt  }
0x79: {  	_ =	shalt  }
0x7a: {  	_ =	shalt  }
0x7b: {  	_ =	shalt  }
0x7c: {  	_ =	shalt  }
0x7d: {  	_ =	shalt  }
0x7e: {  	_ =	shalt  }
0x7f: {  	_ =	shalt  }
0x80: {  	_ =	shalt  }
0x81: {  	_ =	shalt  }
0x82: {  	_ =	shalt  }
0x83: {  	_ =	shalt  }
0x84: {  	_ =	shalt  }
0x85: {  	_ =	shalt  }
0x86: {  	_ =	shalt  }
0x87: {  	_ =	shalt  }
.Lfunc_end0:
.L_simem_size_0:
called_computation.1_lowered:
.L_overlay_start_0:
0x88: {  	s2 =	sld [smem:$0x3FD9]  }
0x89: {  	s3 =	sld [smem:$0x3FFE];
	_ =	sdelay $0x1  }
0x8a: {  	s1 =	srdreg.scid  }
0x8b: {  	s0 =	sand.u32 $0x1, s1  }
0x8c: {  	s14 =	sshll.u32 s0, $0xA;
	s2 =	sadd.s32 s3, s2  }
0x8d: {  	s2 =	sadd.s32 s2, s14  }
0x8e: {  	[smem:$0x3FC5] =	sst s2  }
0x8f: {  	_ = 	snop  }
0x90: {  	s2 =	sld [smem:$0x3FD0];
	_ =	sdelay $0x2  }
0x91: {  	s15 =	simm.s32 $0xA;
	s4 =	simm.s32 $0x10  }
0x92: {  	[smem:s4], [sflag:s15] =	dma.local [hbm:s2], $0x1  }
0x93: {  	_ =	swait.eq [sflag:s15], $0x1  }
0x94: {  	s16 =	sld [smem:$0x10];
	[sflag:s15] =	ssyncset.done $0x0  }
0x95: {  	s17 =	sld [smem:$0x11];
	[sflag:s15] =	ssyncadd.s32 $0xFFFFFFFF  }
0x96: {  	s18 =	sld [smem:$0x12];
	(tm) =	ssettm $0x1  }
0x97: {  	s5 =	sld [smem:$0x3FFB];
	_ =	sdelay $0x3  }
0x98: {  	_ =	strace s5  }
0x99: {  	s5 =	sld [smem:$0x3FFC];
	_ =	sdelay $0x3  }
0x9a: {  	_ =	strace s5  }
0x9b: {  	s5 =	sld [smem:$0x3FFD];
	_ =	sdelay $0x3  }
0x9c: {  	_ =	strace s5  }
0x9d: {  	_ =	strace $0x8FFFFFFF  }
0x9e: {  	s19 =	sld [smem:$0x3FDB];
	_ =	sdelay $0x1  }
0x9f: {  	s6 =	simm.s32 $_scs_section_size  }
0xa0: {  	s7 =	simm.s32 $_size__tile_overlayer_lowered;
	s8 =	simm.s32 $_tile_overlayer_lowered  }
0xa1: {  	s22 =	simm.s32 $0x1BFF;
	s21 =	sshll.u32 s8, $0x1;
	s5 =	sadd.s32 s6, s19  }
0xa2: {  	s9 =	simm.s32 $0x0;
	s20 =	sshll.u32 s7, $0x1;
	s7 =	sadd.s32 s21, s5  }
0xa3: {  	[timem:s9], [sflag:s22] =	dma.local [hbm:s7], s20  }
0xa4: {  	_ =	swait.ge [sflag:s22], s20  }
0xa5: {  	s6 =	ssub.s32 $0x0, s20;
	[sflag:s22] =	ssyncset.done $0x0  }
0xa6: {  	[sflag:s22] =	ssyncadd.s32 s6;
	_ =	sdelay $0x1  }
0xa7: {  	s23 =	simm.s32 $0x1B8B  }
0xa8: {  	_ =	swait.ge [sflag:s23], $0x1  }
0xa9: {  	[sflag:s23] =	ssyncset.done $0x0  }
0xaa: {  	s25 =	simm.s32 $0x1B8E;
	s24 =	sld [smem:$0x3FFE];
	[sflag:s23] =	ssyncadd.s32 $0xFFFFFFFF  }
0xab: {  	s26 =	simm.s32 $execute0_lowered;
	[smem:$0x3FD2] =	sst s25  }
0xac: {  	s7 =	sshll.u32 s26, $0x1;
	_ =	strace $0x80000049;
	[dreg:$0x1] =	wrdreg $0xFFFFFFFF  }
0xad: {  	s28 =	simm.s32 $_size_execute0_lowered;
	s5 =	sadd.s32 s5, s7;
	[dreg:$0x0] =	wrdreg $0x0  }
0xae: {  	s7 =	sshll.u32 s28, $0x1;
	[dreg:$0x2] =	wrdreg s5  }
0xaf: {  	[dreg:$0x3] =	wrdreg s7  }
0xb0: {  	[dreg:$0x4] =	wrdreg $0xC0  }
0xb1: {  	_ =	task [dreg:s9], $0x5FFFF  }
0xb2: {  	[dreg:$0x1] =	wrdreg $0xFFFFFFFF  }
0xb3: {  	[dreg:$0x0] =	wrdreg $0x60  }
0xb4: {  	[dreg:$0x2] =	wrdreg s24  }
0xb5: {  	[dreg:$0x3] =	wrdreg s16  }
0xb6: {  	[dreg:$0x4] =	wrdreg s17  }
0xb7: {  	[dreg:$0x5] =	wrdreg s18  }
0xb8: {  	[dreg:$0x6] =	wrdreg $0x9  }
0xb9: {  	_ =	task.clear_ibuf [dreg:s9], $0x7FFFF;
	_ =	strace $0x90000049  }
0xba: {  	s29 =	simm.s32 $0x9;
	_ =	strace $0x8000004B  }
0xbb: {  	_ =	swait.ge [sflag:s29], $0x1  }
0xbc: {  	[sflag:s29] =	ssyncadd.s32 $0xFFFFFFFF  }
0xbd: {  	_ =	strace $0x9000004B  }
0xbe: {  	_ =	sfence  }
0xbf: {  	s30 =	sld [smem:$0x0];
	_ =	sdelay $0x2  }
0xc0: {  	s31 =	sshll.u32 s1, $0xD;
	s1 =	sshrl.u32 s1, $0x2  }
0xc1: {  	s3 =	sand.u32 $0x4000, s31;
	s1 =	sadd.s32 s1, s30  }
0xc2: {  	s0 =	sor.u32 s3, s0;
	s1 =	sshll.u32 s1, $0x11  }
0xc3: {  	s0 =	sor.u32 s1, s0  }
0xc4: {  	s0 =	sadd.s32 $0x8F2B, s0  }
0xc5: {  	[sflag:s0] =	ssyncadd.remote.s32 $0x1  }
0xc6: {  	_ =	sfence.sel $0xFFFF  }
0xc7: {  	[dreg:$0x0] =	wrdreg $0xFFFFFFFF;
	(pc) =	sbr.abs _section_cstart, $3  }
0xc8: {  	[dreg:$0x1] =	wrdreg $0xFFFFFFFF  }
0xc9: {  	_ =	task.clear_ibuf [dreg:s9], $0x2FFFF;
	_ =	strace $0x9FFFFFFF  }
0xca: {  	(tm) =	ssettm $0x7FFFFFFF  }
0xcb: {  	_ =	shalt  }
tec
execute0_lowered:
.L_overlay_start_1:
0x0: {  	(tag) =	ssettag $0x1  }
0x1: {  	s0 =	rddreg [dreg:$0x0]  }
0x2: {  	s31 =	rddreg [dreg:$0x1]  }
0x3: {  	s3 =	rddreg [dreg:$0x2];
	s4 =	simm.s32 $0x0  }
0x4: {  	[smem:$0x7FF] =	sst s4  }
0x5: {  	s6 =	rddreg [dreg:$0x3];
	v0 =	vimm.s32 $0x80000000;
	_ =	strace $0x8000004A  }
0x6: {  	(xrf0) =	vmax.scan.msk.u32 $0xffff, v0;
	_ =	sdelay $0x5  }
0x7: {  	v0, _, _ =	vpop (xrf0)  }
0x8: {  	(v2sf) =	vpush v0, $0xF;
	_ =	sdelay $0x6  }
0x9: {  	s1 =	srdreg.scid  }
0xa: {  	s2 =	stileid.u32;
	s1 =	sand.u32 $0x1, s1  }
0xb: {  	s2 =	sshll.u32 s2, $0x1;
	s5 =	ssub.s32 $0x0, s1  }
0xc: {  	p0 =	sne.s32 s2, s5  }
.Ltmp0:
0xd: {  	_ = 	snop;
	(pc) =	sbr.rel @p0 .LBB2_19-.Ltmp0, $2  }
0xe: {  	_ =	sdelay $0x2  }
0xf: {  	s2 =	spop (v2sf)  }
0x10: {  	s8 =	sadd.s32 $0x5C00, s0;
	s7 =	sadd.s32 $0x6600, s0;
	s9 =	sadd.s32 $0x4C00, s0  }
0x11: {  	s10 =	sadd.s32 $0x4200, s0;
	s11 =	sadd.s32 $0x3800, s0;
	s1 =	ssub.s32 $0x2, s1  }
0x12: {  	s13 =	sadd.s32 $0x2E00, s0;
	s2 =	sxor.u32 $0x80000000, s2;
	s14 =	sadd.s32 $0x10, s6  }
0x13: {  	s15 =	sadd.s32 $0x20, s6;
	s16 =	sadd.s32 $0x30, s6;
	s17 =	simm.s32 $0x5000  }
0x14: {  	s18 =	simm.s32 $0xA000;
	s19 =	simm.s32 $0xF000;
	s20 =	simm.s32 $0x14000  }
0x15: {  	s28 =	simm.s32 $0x1;
	s22 =	simm.s32 $0x19000;
	s23 =	simm.s32 $0x3  }
0x16: {  	s24 =	simm.s32 $0x19280;
	s25 =	simm.s32 $0x2;
	s30 =	sshrl.u32 s1, $0x1  }
0x17: {  	s29 =	simm.s32 $0x200;
	p0 =	slt.u32 s2, $0x80;
	s0 =	ssub.s32 s1, s30  }
0x18: {  	v0 =	vimm.s32 $0x0;
	v1 =	vlaneseq.u32;
	p1 =	sgt.s32 s2, $0x17F;
	s1 =	simm.s32 $0x0;
	s21 =	smax.u32 s0, $0x1  }
.LBB2_2:
0x19: {  	[tilespmem:s4], [sflag:$0x1] =	stream.linear.gather [hbm4b:s8+s4], $0x5000, $0x38;
	[tilespmem:$0x19E80] =	vst v63  }
0x1a: {  	_ = 	snop  }
0x1b: {  	[tilespmem:s17], [sflag:$0x2] =	stream.linear.gather [hbm4b:s9+s4], $0x5000, $0x38;
	[tilespmem:$0x19E80] =	vst v63  }
0x1c: {  	_ = 	snop  }
0x1d: {  	[tilespmem:s18], [sflag:$0x2] =	stream.linear.gather [hbm4b:s10+s4], $0x5000, $0x38;
	[tilespmem:$0x19E80] =	vst v63  }
0x1e: {  	_ = 	snop  }
0x1f: {  	[tilespmem:s19], [sflag:$0x2] =	stream.linear.gather [hbm4b:s11+s4], $0x5000, $0x38;
	[tilespmem:$0x19E80] =	vst v63  }
.Ltmp1:
0x20: {  	_ = 	snop;
	(pc) =	sbr.rel @p1 .LBB2_8-.Ltmp1, $4  }
0x21: {  	[tilespmem:s20], [sflag:$0x2] =	stream.linear.gather [hbm4b:s13+s4], $0x5000, $0x38;
	[tilespmem:$0x19E80] =	vst v63  }
0x22: {  	_ =	swait.ge [sflag:s28], $0x5000  }
0x23: {  	p2 =	por $0x0, $0x0;
	s0 =	smov.u32 s2;
	[sflag:s28] =	ssyncset.done $0x0  }
0x24: {  	p3 =	por p0, p0;
	s12 =	smov.u32 s2;
	[sflag:s28] =	ssyncadd.s32 $0xFFFFB000  }
0x25: {  	s26 =	simm.s32 $0x0;
	v2 =	vimm.s32 $0x0;
	v3 =	vimm.s32 $0x0;
	s30 =	simm.s32 $0x0  }
.LBB2_4:
0x26: {  	s0 =	smul.u32 $0x50, s30;
	_ =	sdelay $0x1  }
0x27: {  	s0 =	sadd.s32 s7, s0  }
0x28: {  	[tilespmem:s22], [sflag:$0x3] =	stream.linear.gather [hbm4b:s0+s26], $0x280, $0x38;
	[tilespmem:$0x19E80] =	vst v63  }
0x29: {  	_ =	swait.ge [sflag:s23], $0x280  }
0x2a: {  	[sflag:s23] =	ssyncset.done $0x0  }
0x2b: {  	s0 =	simm.s32 $0x0;
	[sflag:s23] =	ssyncadd.s32 $0xFFFFFD80  }
.LBB2_5:
0x2c: {  	s12 =	sshra.s32 s0, $0x2  }
0x2d: {  	v4 =	vld [tilespmem:s12+$0x19000];
	_ =	sdelay $0x7  }
0x2e: {  	v5 =	vld.idx.msk [tilespmem:v4+s4+$0x0], $0xffff;
	_ =	sdelay $0x4  }
0x2f: {  	vm0 =	vlt.s32 v4, $0x4E84;
	vm1 =	vlt.s32 v5, $0x50  }
0x30: {  	vm2 =	veq.s32 v5, $0x50;
	vm1 =	vmand vm0, vm1  }
0x31: {  	vm0 =	vmand vm0, vm2;
	v5 =	vsel vm1, $0x1, v0  }
0x32: {  	(xrf0) =	vadd.scan.msk.s32 $0xffff, v5;
	v5 =	vsel vm0, $0x1, v0  }
0x33: {  	(xrf0) =	vadd.scan.msk.s32 $0xffff, v5;
	_ =	sdelay $0x4  }
0x34: {  	v5, _, _ =	vpop (xrf0)  }
0x35: {  	v5 =	vadd.s32 v3, v5;
	v6, _, _ =	vpop (xrf0)  }
0x36: {  	v6 =	vadd.s32 v2, v6;
	vm15 =	vlt.s32 v5, $0x81  }
0x37: {  	vm2 =	vmand vm1, vm15;
	vm3 =	vlt.s32 v6, $0x181  }
0x38: {  	v5 =	vadd.s32 $0xFFFFFFFF, v5;
	vm3 =	vmand vm0, vm3  }
0x39: {  	p2 =	sne.s32 s0, $0x9C0;
	v6 =	vadd.s32 $0x7F, v6  }
.Ltmp2:
0x3a: {  	_ = 	snop;
	(pc) =	sbr.rel @p2 .LBB2_5-.Ltmp2, $4  }
0x3b: {  	_ = 	snop  }
0x3c: {  	v7 =	vmpcnt.ones.xlane vm1;
	v8 =	vmpcnt.ones.xlane vm0  }
0x3d: {  	[tilespmem:v5+s24+$0x0] =	vst.idx.msk vm2, v4  }
0x3e: {  	s0 =	sadd.s32 $0x40, s0;
	v3 =	vadd.s32 v3, v7;
	v2 =	vadd.s32 v2, v8;
	[tilespmem:v6+s24+$0x0] =	vst.idx.msk vm3, v4  }
0x3f: {  	v4 =	vxor.u32 $0x80000000, v3  }
0x40: {  	(xrf0) =	vmax.scan.msk.u32 $0xffff, v4;
	v4 =	vxor.u32 $0x80000000, v2  }
0x41: {  	(xrf0) =	vmax.scan.msk.u32 $0xffff, v4;
	_ =	sdelay $0x4  }
0x42: {  	v4, _, _ =	vpop (xrf0)  }
0x43: {  	(v2sf) =	vpush v4, $0xF;
	v4, _, _ =	vpop (xrf0)  }
0x44: {  	(v2sf) =	vpush v4, $0xF;
	_ =	sdelay $0xd  }
0x45: {  	s0 =	spop (v2sf)  }
0x46: {  	s12 =	spop (v2sf)  }
0x47: {  	s0 =	sxor.u32 $0x80000000, s0;
	s12 =	sxor.u32 $0x80000000, s12  }
0x48: {  	p3 =	slt.s32 s0, $0x80;
	p2 =	slt.s32 s12, $0x180  }
0x49: {  	p4 =	sgt.u32 s30, $0x1E;
	p5 =	por p3, p2  }
0x4a: {  	p5 =	por p4, !p5  }
.Ltmp3:
0x4b: {  	_ = 	snop;
	(pc) =	sbr.rel @!p5 .LBB2_4-.Ltmp3, $2  }
0x4c: {  	_ =	sdelay $0x2  }
0x4d: {  	s30 =	sadd.s32 $0x1, s30  }
0x4e: {  	s0 =	smov.u32 @p4 s0  }
0x4f: {  	p3 =	por @!p4 p3, p3;
	s12 =	smov.u32 @p4 s12;
	p2 =	por @!p4 p2, p2  }
.LBB2_8:
.Ltmp4:
0x50: {  	(pc) =	sbr.rel @!p3 .LBB2_12-.Ltmp4, $2  }
0x51: {  	_ =	sdelay $0x2  }
0x52: {  	s26 =	simm.s32 $0x0  }
0x53: {  	v2 =	vld [tilespmem:s26+$0x0];
	_ =	sdelay $0x3  }
0x54: {  	v3 =	vor.u32 s26, v1  }
0x55: {  	vm1 =	vlt.u32 v3, $0x4E84;
	vm0 =	veq.s32 v2, $0x50  }
0x56: {  	vm0 =	vmand vm1, vm0  }
0x57: {  	v2 =	vsel vm0, $0x1, v0  }
0x58: {  	(xrf0) =	vadd.scan.msk.s32 $0xffff, v2;
	_ =	sdelay $0x5  }
0x59: {  	v2, _, _ =	vpop (xrf0)  }
0x5a: {  	v2 =	vadd.s32 s0, v2  }
0x5b: {  	vm1 =	vlt.s32 v2, $0x81  }
0x5c: {  	vm0 =	vmand vm0, vm1  }
0x5d: {  	v4 =	vadd.s32 $0xFFFFFFFF, v2;
	_ =	sdelay $0x3  }
0x5e: {  	v2 =	vxor.u32 $0x80000000, v2  }
0x5f: {  	s30 =	simm.s32 $0x10;
	(xrf0) =	vmax.scan.msk.u32 $0xffff, v2;
	[tilespmem:v4+s24+$0x0] =	vst.idx.msk vm0, v3  }
0x60: {  	v3 =	vld [tilespmem:s30+$0x0];
	_ =	sdelay $0x4  }
0x61: {  	vm0 =	veq.s32 v3, $0x50;
	v3, _, _ =	vpop (xrf0)  }
0x62: {  	(v2sf) =	vpush v3, $0xF;
	_ =	sdelay $0x5  }
0x63: {  	v2 =	vor.u32 s30, v1  }
0x64: {  	s28 =	smov.u32 s21;
	s21 =	smov.u32 s16;
	vm1 =	vlt.u32 v2, $0x4E84  }
0x65: {  	s16 =	smov.u32 s15;
	s15 =	smov.u32 s14;
	s14 =	smov.u32 s13;
	vm0 =	vmand vm1, vm0  }
0x66: {  	s13 =	smov.u32 s11;
	s11 =	smov.u32 s10;
	s10 =	smov.u32 s9;
	v63 =	vsel vm0, $0x1, v0  }
0x67: {  	s9 =	smov.u32 s8;
	s8 =	smov.u32 s6;
	s6 =	smov.u32 s3;
	(xrf0) =	vadd.scan.msk.s32 $0xffff, v63  }
0x68: {  	s3 =	smov.u32 s31;
	s31 =	simm.s32 $0x20;
	s0 =	simm.s32 $0x30  }
.LBB2_10:
0x69: {  	p3 =	sne.s32 s0, $0x4FF0;
	_ =	sdelay $0x2  }
0x6a: {  	s5 =	spop (v2sf)  }
0x6b: {  	v3, _, _ =	vpop (xrf0);
	s5 =	sxor.u32 $0x80000000, s5  }
0x6c: {  	v3 =	vadd.s32 s5, v3  }
0x6d: {  	vm1 =	vlt.s32 v3, $0x81;
	v4 =	vxor.u32 $0x80000000, v3  }
0x6e: {  	vm0 =	vmand vm0, vm1;
	(xrf0) =	vmax.scan.msk.u32 $0xffff, v4  }
0x6f: {  	v3 =	vadd.s32 $0xFFFFFFFF, v3;
	_ =	sdelay $0x4  }
0x70: {  	[tilespmem:v3+s24+$0x0] =	vst.idx.msk vm0, v2;
	v2, _, _ =	vpop (xrf0)  }
0x71: {  	(v2sf) =	vpush v2, $0xF  }
0x72: {  	s30 =	sadd.s32 $0x10, s30  }
0x73: {  	v3 =	vld [tilespmem:s30+$0x0];
	_ =	sdelay $0x3  }
0x74: {  	v2 =	vor.u32 s31, v1;
	s31 =	smov.u32 s0  }
.Ltmp5:
0x75: {  	vm1 =	vlt.u32 v2, $0x4E84;
	vm0 =	veq.s32 v3, $0x50;
	(pc) =	sbr.rel @p3 .LBB2_10-.Ltmp5, $4  }
0x76: {  	vm0 =	vmand vm1, vm0  }
0x77: {  	v3 =	vsel vm0, $0x1, v0  }
0x78: {  	(xrf0) =	vadd.scan.msk.s32 $0xffff, v3  }
0x79: {  	s0 =	sadd.s32 $0x10, s0  }
0x7a: {  	_ =	sdelay $0x2  }
0x7b: {  	s0 =	spop (v2sf)  }
0x7c: {  	v3, _, _ =	vpop (xrf0);
	s0 =	sxor.u32 $0x80000000, s0  }
0x7d: {  	v3 =	vadd.s32 s0, v3  }
0x7e: {  	v4 =	vxor.u32 $0x80000000, v3  }
0x7f: {  	(xrf0) =	vmax.scan.msk.u32 $0xffff, v4  }
0x80: {  	vm1 =	vlt.s32 v3, $0x81  }
0x81: {  	vm0 =	vmand vm0, vm1  }
0x82: {  	v3 =	vadd.s32 $0xFFFFFFFF, v3;
	_ =	sdelay $0x2  }
0x83: {  	v4, _, _ =	vpop (xrf0)  }
0x84: {  	(v2sf) =	vpush v4, $0xF  }
0x85: {  	s30 =	sadd.s32 $0x10, s30;
	[tilespmem:v3+s24+$0x0] =	vst.idx.msk vm0, v2  }
0x86: {  	v2 =	vld [tilespmem:s30+$0x0];
	_ =	sdelay $0x3  }
0x87: {  	v3 =	vor.u32 s31, v1  }
0x88: {  	vm14 =	vlt.u32 v3, $0x4E84;
	vm13 =	veq.s32 v2, $0x50  }
0x89: {  	vm0 =	vmand vm14, vm13  }
0x8a: {  	v2 =	vsel vm0, $0x1, v0  }
0x8b: {  	(xrf0) =	vadd.scan.msk.s32 $0xffff, v2;
	_ =	sdelay $0x4  }
0x8c: {  	s5 =	spop (v2sf)  }
0x8d: {  	v2, _, _ =	vpop (xrf0);
	s0 =	sxor.u32 $0x80000000, s5  }
0x8e: {  	v2 =	vadd.s32 s0, v2  }
0x8f: {  	v63 =	vxor.u32 $0x80000000, v2  }
0x90: {  	(xrf0) =	vmax.scan.msk.u32 $0xffff, v63;
	_ =	sdelay $0x5  }
0x91: {  	v4, _, _ =	vpop (xrf0)  }
0x92: {  	(v2sf) =	vpush v4, $0xF;
	_ =	sdelay $0x7  }
0x93: {  	vm15 =	vlt.s32 v2, $0x81  }
0x94: {  	vm0 =	vmand vm0, vm15  }
0x95: {  	v2 =	vadd.s32 $0xFFFFFFFF, v2  }
0x96: {  	s31 =	smov.u32 s3;
	s3 =	smov.u32 s6  }
0x97: {  	s6 =	smov.u32 s8;
	s8 =	smov.u32 s9;
	s9 =	smov.u32 s10  }
0x98: {  	s10 =	smov.u32 s11;
	s11 =	smov.u32 s13;
	s13 =	smov.u32 s14  }
0x99: {  	s14 =	smov.u32 s15;
	s15 =	smov.u32 s16;
	s16 =	smov.u32 s21  }
0x9a: {  	s21 =	smov.u32 s28;
	s28 =	simm.s32 $0x1;
	[tilespmem:v2+s24+$0x0] =	vst.idx.msk vm0, v3;
	s30 =	spop (v2sf)  }
.LBB2_12:
.Ltmp6:
0x9b: {  	(pc) =	sbr.rel @!p2 .LBB2_16-.Ltmp6, $1  }
0x9c: {  	_ =	sdelay $0x3  }
0x9d: {  	v2 =	vld [tilespmem:s26+$0x0];
	_ =	sdelay $0x3  }
0x9e: {  	v3 =	vor.u32 s26, v1  }
0x9f: {  	vm1 =	vlt.u32 v3, $0x4E84;
	vm0 =	vlt.s32 v2, $0x50  }
0xa0: {  	vm0 =	vmand vm1, vm0  }
0xa1: {  	v2 =	vsel vm0, $0x1, v0  }
0xa2: {  	(xrf0) =	vadd.scan.msk.s32 $0xffff, v2;
	_ =	sdelay $0x5  }
0xa3: {  	v2, _, _ =	vpop (xrf0)  }
0xa4: {  	v2 =	vadd.s32 s12, v2  }
0xa5: {  	vm1 =	vlt.s32 v2, $0x181  }
0xa6: {  	vm0 =	vmand vm0, vm1  }
0xa7: {  	v4 =	vadd.s32 $0x7F, v2;
	_ =	sdelay $0x3  }
0xa8: {  	v2 =	vxor.u32 $0x80000000, v2  }
0xa9: {  	s12 =	simm.s32 $0x10;
	(xrf0) =	vmax.scan.msk.u32 $0xffff, v2;
	[tilespmem:v4+s24+$0x0] =	vst.idx.msk vm0, v3  }
0xaa: {  	v3 =	vld [tilespmem:s12+$0x0];
	_ =	sdelay $0x4  }
0xab: {  	vm0 =	vlt.s32 v3, $0x50;
	v3, _, _ =	vpop (xrf0)  }
0xac: {  	(v2sf) =	vpush v3, $0xF;
	_ =	sdelay $0x5  }
0xad: {  	v2 =	vor.u32 s12, v1  }
0xae: {  	vm1 =	vlt.u32 v2, $0x4E84  }
0xaf: {  	vm0 =	vmand vm1, vm0  }
0xb0: {  	v63 =	vsel vm0, $0x1, v0  }
0xb1: {  	(xrf0) =	vadd.scan.msk.s32 $0xffff, v63  }
0xb2: {  	s26 =	simm.s32 $0x20;
	s0 =	simm.s32 $0x30  }
.LBB2_14:
0xb3: {  	p2 =	sne.s32 s0, $0x4FF0;
	_ =	sdelay $0x2  }
0xb4: {  	s5 =	spop (v2sf)  }
0xb5: {  	v3, _, _ =	vpop (xrf0);
	s5 =	sxor.u32 $0x80000000, s5  }
0xb6: {  	v3 =	vadd.s32 s5, v3  }
0xb7: {  	vm1 =	vlt.s32 v3, $0x181;
	v4 =	vxor.u32 $0x80000000, v3  }
0xb8: {  	vm0 =	vmand vm0, vm1;
	(xrf0) =	vmax.scan.msk.u32 $0xffff, v4  }
0xb9: {  	v3 =	vadd.s32 $0x7F, v3;
	_ =	sdelay $0x4  }
0xba: {  	[tilespmem:v3+s24+$0x0] =	vst.idx.msk vm0, v2;
	v2, _, _ =	vpop (xrf0)  }
0xbb: {  	(v2sf) =	vpush v2, $0xF  }
0xbc: {  	s12 =	sadd.s32 $0x10, s12  }
0xbd: {  	v3 =	vld [tilespmem:s12+$0x0];
	_ =	sdelay $0x3  }
0xbe: {  	v2 =	vor.u32 s26, v1;
	s26 =	smov.u32 s0  }
.Ltmp7:
0xbf: {  	vm1 =	vlt.u32 v2, $0x4E84;
	vm0 =	vlt.s32 v3, $0x50;
	(pc) =	sbr.rel @p2 .LBB2_14-.Ltmp7, $4  }
0xc0: {  	vm0 =	vmand vm1, vm0  }
0xc1: {  	v3 =	vsel vm0, $0x1, v0  }
0xc2: {  	(xrf0) =	vadd.scan.msk.s32 $0xffff, v3  }
0xc3: {  	s0 =	sadd.s32 $0x10, s0  }
0xc4: {  	_ =	sdelay $0x2  }
0xc5: {  	s0 =	spop (v2sf)  }
0xc6: {  	v3, _, _ =	vpop (xrf0);
	s0 =	sxor.u32 $0x80000000, s0  }
0xc7: {  	v3 =	vadd.s32 s0, v3  }
0xc8: {  	v4 =	vxor.u32 $0x80000000, v3  }
0xc9: {  	(xrf0) =	vmax.scan.msk.u32 $0xffff, v4  }
0xca: {  	vm1 =	vlt.s32 v3, $0x181  }
0xcb: {  	vm0 =	vmand vm0, vm1  }
0xcc: {  	v3 =	vadd.s32 $0x7F, v3;
	_ =	sdelay $0x2  }
0xcd: {  	v4, _, _ =	vpop (xrf0)  }
0xce: {  	(v2sf) =	vpush v4, $0xF  }
0xcf: {  	s12 =	sadd.s32 $0x10, s12;
	[tilespmem:v3+s24+$0x0] =	vst.idx.msk vm0, v2  }
0xd0: {  	v2 =	vld [tilespmem:s12+$0x0];
	_ =	sdelay $0x3  }
0xd1: {  	v3 =	vor.u32 s26, v1  }
0xd2: {  	vm14 =	vlt.u32 v3, $0x4E84;
	vm13 =	vlt.s32 v2, $0x50  }
0xd3: {  	vm0 =	vmand vm14, vm13  }
0xd4: {  	v2 =	vsel vm0, $0x1, v0  }
0xd5: {  	(xrf0) =	vadd.scan.msk.s32 $0xffff, v2;
	_ =	sdelay $0x4  }
0xd6: {  	s26 =	spop (v2sf)  }
0xd7: {  	v2, _, _ =	vpop (xrf0);
	s0 =	sxor.u32 $0x80000000, s26  }
0xd8: {  	v2 =	vadd.s32 s0, v2  }
0xd9: {  	v63 =	vxor.u32 $0x80000000, v2  }
0xda: {  	(xrf0) =	vmax.scan.msk.u32 $0xffff, v63;
	_ =	sdelay $0x5  }
0xdb: {  	v4, _, _ =	vpop (xrf0)  }
0xdc: {  	(v2sf) =	vpush v4, $0xF;
	_ =	sdelay $0x7  }
0xdd: {  	vm15 =	vlt.s32 v2, $0x181  }
0xde: {  	vm0 =	vmand vm0, vm15  }
0xdf: {  	v2 =	vadd.s32 $0x7F, v2;
	_ =	sdelay $0x4  }
0xe0: {  	[tilespmem:v2+s24+$0x0] =	vst.idx.msk vm0, v3;
	s30 =	spop (v2sf)  }
.LBB2_16:
0xe1: {  	_ =	swait.ge [sflag:s25], $0x5000  }
0xe2: {  	[sflag:s25] =	ssyncset.done $0x0  }
0xe3: {  	[sflag:s25] =	ssyncadd.s32 $0xFFFFB000  }
0xe4: {  	_ =	swait.ge [sflag:s25], $0x5000  }
0xe5: {  	[sflag:s25] =	ssyncset.done $0x0  }
0xe6: {  	[sflag:s25] =	ssyncadd.s32 $0xFFFFB000  }
0xe7: {  	_ =	swait.ge [sflag:s25], $0x5000  }
0xe8: {  	[sflag:s25] =	ssyncset.done $0x0  }
0xe9: {  	[sflag:s25] =	ssyncadd.s32 $0xFFFFB000  }
0xea: {  	_ =	swait.ge [sflag:s25], $0x5000  }
0xeb: {  	[sflag:s25] =	ssyncset.done $0x0  }
0xec: {  	s12 =	simm.s32 $0x0;
	[sflag:s25] =	ssyncadd.s32 $0xFFFFB000  }
0xed: {  	v2 =	vld [tilespmem:s12+$0x19280];
	_ =	sdelay $0x7  }
0xee: {  	v3 =	vld.idx.msk [tilespmem:v2+s4+$0x0], $0xffff;
	_ =	sdelay $0x4  }
0xef: {  	[tilespmem:s12+$0x19480] =	vst v3  }
0xf0: {  	v3 =	vld.idx.msk [tilespmem:v2+s17+$0x0], $0xffff;
	_ =	sdelay $0x4  }
0xf1: {  	[tilespmem:s12+$0x19680] =	vst v3  }
0xf2: {  	v3 =	vld.idx.msk [tilespmem:v2+s18+$0x0], $0xffff;
	_ =	sdelay $0x4  }
0xf3: {  	[tilespmem:s12+$0x19880] =	vst v3  }
0xf4: {  	v3 =	vld.idx.msk [tilespmem:v2+s19+$0x0], $0xffff;
	_ =	sdelay $0x3  }
0xf5: {  	s0 =	simm.s32 $0x10;
	s26 =	simm.s32 $0x80  }
.LBB2_17:
0xf6: {  	p2 =	sne.s32 s26, $0x7C0;
	v4 =	vld [tilespmem:s0+$0x19280];
	[tilespmem:s12+$0x19A80] =	vst v3  }
0xf7: {  	v3 =	vld.idx.msk [tilespmem:v2+s20+$0x0], $0xffff;
	_ =	sdelay $0x3  }
0xf8: {  	v2 =	vmov v4;
	_ =	sdelay $0x1  }
0xf9: {  	[tilespmem:s12+$0x19C80] =	vst v3;
	s12 =	smov.u32 s0  }
0xfa: {  	v3 =	vld.idx.msk [tilespmem:v4+s4+$0x0], $0xffff;
	_ =	sdelay $0x5  }
0xfb: {  	[tilespmem:s12+$0x19480] =	vst v3  }
0xfc: {  	v3 =	vld.idx.msk [tilespmem:v4+s17+$0x0], $0xffff;
	_ =	sdelay $0x5  }
0xfd: {  	[tilespmem:s12+$0x19680] =	vst v3  }
0xfe: {  	v3 =	vld.idx.msk [tilespmem:v4+s18+$0x0], $0xffff;
	_ =	sdelay $0x5  }
0xff: {  	[tilespmem:s12+$0x19880] =	vst v3  }
0x100: {  	v3 =	vld.idx.msk [tilespmem:v4+s19+$0x0], $0xffff  }
.Ltmp8:
0x101: {  	(pc) =	sbr.rel @p2 .LBB2_17-.Ltmp8, $2  }
0x102: {  	_ =	sdelay $0x2  }
0x103: {  	s0 =	sshra.s32 s26, $0x2;
	s26 =	sadd.s32 $0x40, s26  }
0x104: {  	_ =	sdelay $0x1  }
0x105: {  	v4 =	vld [tilespmem:s0+$0x19280]  }
0x106: {  	[tilespmem:s12+$0x19A80] =	vst v3  }
0x107: {  	v2 =	vld.idx.msk [tilespmem:v2+s20+$0x0], $0xffff;
	_ =	sdelay $0x4  }
0x108: {  	[tilespmem:s12+$0x19C80] =	vst v2  }
0x109: {  	v2 =	vld.idx.msk [tilespmem:v4+s4+$0x0], $0xffff;
	_ =	sdelay $0x4  }
0x10a: {  	[tilespmem:s0+$0x19480] =	vst v2  }
0x10b: {  	v2 =	vld.idx.msk [tilespmem:v4+s17+$0x0], $0xffff;
	_ =	sdelay $0x4  }
0x10c: {  	[tilespmem:s0+$0x19680] =	vst v2  }
0x10d: {  	v2 =	vld.idx.msk [tilespmem:v4+s18+$0x0], $0xffff;
	_ =	sdelay $0x4  }
0x10e: {  	[tilespmem:s0+$0x19880] =	vst v2  }
0x10f: {  	v2 =	vld.idx.msk [tilespmem:v4+s19+$0x0], $0xffff;
	_ =	sdelay $0x4  }
0x110: {  	[tilespmem:s0+$0x19A80] =	vst v2  }
0x111: {  	v2 =	vld.idx.msk [tilespmem:v4+s20+$0x0], $0xffff;
	_ =	sdelay $0x4  }
0x112: {  	[tilespmem:s0+$0x19C80] =	vst v2  }
0x113: {  	[hbm4b:s31+s4] =	stream.linear.scatter [tilespmem:s24], [sflag:$0x3], $0x200, $0x38;
	[tilespmem:$0x19E80] =	vst v63  }
0x114: {  	_ =	swait.ge [sflag:s23], $0x200  }
0x115: {  	[sflag:s23] =	ssyncset.done $0x0  }
0x116: {  	s5 =	simm.s32 $0x19480;
	[sflag:s23] =	ssyncadd.s32 $0xFFFFFE00  }
0x117: {  	[hbm4b:s3+s4] =	stream.linear.scatter [tilespmem:s5], [sflag:$0x3], $0x200, $0x38;
	[tilespmem:$0x19E80] =	vst v63  }
0x118: {  	_ =	swait.ge [sflag:s23], $0x200  }
0x119: {  	[sflag:s23] =	ssyncset.done $0x0  }
0x11a: {  	s0 =	simm.s32 $0x80;
	s5 =	simm.s32 $0x19680;
	[sflag:s23] =	ssyncadd.s32 $0xFFFFFE00  }
0x11b: {  	[hbm4b:s6+s0] =	stream.strided.scatter [tilespmem:s5], [sflag:$0x3], $0x200, s29, s0, $0x38;
	[tilespmem:$0x19E80] =	vst v63  }
0x11c: {  	_ =	swait.ge [sflag:s23], $0x200  }
0x11d: {  	[sflag:s23] =	ssyncset.done $0x0  }
0x11e: {  	s12 =	simm.s32 $0x19880;
	[sflag:s23] =	ssyncadd.s32 $0xFFFFFE00  }
0x11f: {  	[hbm4b:s14+s0] =	stream.strided.scatter [tilespmem:s12], [sflag:$0x3], $0x200, s29, s0, $0x38;
	[tilespmem:$0x19E80] =	vst v63  }
0x120: {  	_ =	swait.ge [sflag:s23], $0x200  }
0x121: {  	[sflag:s23] =	ssyncset.done $0x0  }
0x122: {  	s26 =	simm.s32 $0x19A80;
	[sflag:s23] =	ssyncadd.s32 $0xFFFFFE00  }
0x123: {  	[hbm4b:s15+s0] =	stream.strided.scatter [tilespmem:s26], [sflag:$0x3], $0x200, s29, s0, $0x38;
	[tilespmem:$0x19E80] =	vst v63  }
0x124: {  	s1 =	sadd.s32 $0x1, s1;
	_ =	swait.ge [sflag:s23], $0x200  }
0x125: {  	p2 =	sne.s32 s1, s21;
	[sflag:s23] =	ssyncset.done $0x0  }
.Ltmp9:
0x126: {  	s30 =	simm.s32 $0x19C80;
	[sflag:s23] =	ssyncadd.s32 $0xFFFFFE00;
	(pc) =	sbr.rel @p2 .LBB2_2-.Ltmp9, $4  }
0x127: {  	[hbm4b:s16+s0] =	stream.strided.scatter [tilespmem:s30], [sflag:$0x3], $0x200, s29, s0, $0x38;
	[tilespmem:$0x19E80] =	vst v63  }
0x128: {  	_ =	swait.ge [sflag:s23], $0x200  }
0x129: {  	[sflag:s23] =	ssyncset.done $0x0  }
0x12a: {  	[sflag:s23] =	ssyncadd.s32 $0xFFFFFE00  }
.LBB2_19:
0x12b: {  	_ =	sfence.sel $0x180000  }
0x12c: {  	[bflag:$0x0] =	sbarrier.arrive $0xFFFF  }
0x12d: {  	_ =	strace $0x9000004A  }
0x12e: {  	s0 =	stileid.u32;
	[bflag:$0x2] =	sbarrier.arrive $0xFFFF  }
0x12f: {  	p0 =	sne.s32 s0, $0x0;
	s0 =	rddreg [dreg:$0x4]  }
0x130: {  	s0 =	sadd.s32 @!p0 $0x100000, s0  }
0x131: {  	[sflag:s0] =	ssyncadd.tile.s32 @!p0 $0x1;
	_ =	shalt  }
.Lfunc_end2:
_tile_overlayer_lowered:
.L_overlay_start_2:
0x132: {  	(tag) =	ssettag $0x2  }
0x133: {  	s0 =	rddreg [dreg:$0x0];
	s2 =	stileid.u32  }
0x134: {  	s1 =	rddreg [dreg:$0x1];
	p0 =	sne.s32 s2, $0x0  }
0x135: {  	s3 =	rddreg [dreg:$0x2];
	[bflag:$0x3] =	sbarrier.arrive $0xFFFF;
	s2 =	simm.s32 @!p0 $0x1C03  }
0x136: {  	[timem:s3], [sflag:s2] =	dma.local @!p0 [hbm:s0], s1  }
0x137: {  	s0 =	simm.s32 @!p0 $0x3  }
0x138: {  	_ =	swait.ge @!p0 [sflag:s0], s1  }
0x139: {  	s1 =	ssub.s32 @!p0 $0x0, s1;
	[sflag:s0] =	ssyncset.done @!p0 $0x0  }
0x13a: {  	[sflag:s0] =	ssyncadd.s32 @!p0 s1  }
0x13b: {  	[bflag:$0x3] =	sbarrier.arrive $0xFFFF  }
0x13c: {  	_ =	shalt  }

</sc_bundles>
